<compile_context>
chip_gen: v7x
topology: tpu7x:2x2x1
jax: 0.10.2.dev20260603
libtpu: 0.0.44.dev20260713+nightly
codegen_flags: <defaults>
</compile_context>

<pallas_src>
import functools

import jax
import jax.numpy as jnp
from jax import lax
from jax.experimental import pallas as pl
from jax.experimental.pallas import tpu as pltpu
from jax.experimental.pallas import tpu_sc as plsc

BATCH = 16384
HIST = 50
LENGTH = 64
B = BATCH * HIST
NW = 32
BPW = B // NW
G = 128
NG = BPW // G
DIRW = 16

_mesh = plsc.VectorSubcoreMesh(core_axis_name="c", subcore_axis_name="s")


@functools.partial(
    pl.kernel,
    mesh=_mesh,
    out_type=[
        jax.ShapeDtypeStruct((B, LENGTH), jnp.float32),
        jax.ShapeDtypeStruct((B, LENGTH), jnp.float32),
        jax.ShapeDtypeStruct((B, 2), jnp.float32),
    ],
    scratch_types=[
        pltpu.VMEM((NG, G), jnp.int32),
        pltpu.VMEM((G, LENGTH), jnp.float32),
        pltpu.VMEM((G, LENGTH), jnp.float32),
        pltpu.VMEM((G, DIRW), jnp.float32),
        pltpu.VMEM((G, LENGTH), jnp.float32),
        pltpu.VMEM((G, LENGTH), jnp.float32),
        pltpu.VMEM((G, DIRW), jnp.float32),
        pltpu.SemaphoreType.DMA,
        pltpu.SemaphoreType.DMA,
        pltpu.SemaphoreType.DMA,
    ],
    compiler_params=pltpu.CompilerParams(use_tc_tiling_on_sc=False),
)
def _gather3(idx_hbm, row_hbm, col_hbm, dir_hbm,
             row_out, col_out, dir_out,
             idx_v, row_a, col_a, dir_a, row_b, col_b, dir_b,
             gsem_a, gsem_b, wsem):
    wid = lax.axis_index("s") * 2 + lax.axis_index("c")
    base = wid * BPW
    pltpu.sync_copy(idx_hbm.at[wid], idx_v)

    row_bufs = (row_a, row_b)
    col_bufs = (col_a, col_b)
    dir_bufs = (dir_a, dir_b)
    gsems = (gsem_a, gsem_b)

    def fire_gathers(b, g):
        idxs = idx_v.at[g]
        pltpu.async_copy(row_hbm.at[idxs], row_bufs[b], gsems[b])
        pltpu.async_copy(col_hbm.at[idxs], col_bufs[b], gsems[b])
        pltpu.async_copy(dir_hbm.at[idxs], dir_bufs[b], gsems[b])

    def drain_gathers(b, g):
        idxs = idx_v.at[g]
        pltpu.make_async_copy(row_hbm.at[idxs], row_bufs[b], gsems[b]).wait()
        pltpu.make_async_copy(col_hbm.at[idxs], col_bufs[b], gsems[b]).wait()
        pltpu.make_async_copy(dir_hbm.at[idxs], dir_bufs[b], gsems[b]).wait()

    def fire_writes(b, g):
        off = g * G
        pltpu.async_copy(row_bufs[b], row_out.at[pl.ds(base + off, G)], wsem)
        pltpu.async_copy(col_bufs[b], col_out.at[pl.ds(base + off, G)], wsem)
        pltpu.async_copy(dir_bufs[b].at[:, pl.ds(0, 2)],
                         dir_out.at[pl.ds(base + off, G)], wsem)

    def drain_writes(b, g):
        off = g * G
        pltpu.make_async_copy(row_bufs[b], row_out.at[pl.ds(base + off, G)], wsem).wait()
        pltpu.make_async_copy(col_bufs[b], col_out.at[pl.ds(base + off, G)], wsem).wait()
        pltpu.make_async_copy(dir_bufs[b].at[:, pl.ds(0, 2)],
                              dir_out.at[pl.ds(base + off, G)], wsem).wait()

    fire_gathers(0, 0)
    fire_gathers(1, 1)

    @pl.loop(0, NG - 2, step=2)
    def _steady(g0):
        for b in range(2):
            g = g0 + b
            drain_gathers(b, g)
            fire_writes(b, g)
            drain_writes(b, g)
            fire_gathers(b, g + 2)

    for b, g in ((0, NG - 2), (1, NG - 1)):
        drain_gathers(b, g)
        fire_writes(b, g)
        drain_writes(b, g)


def kernel(input, row_table, col_table, dir_table):
    idx = input.reshape(NW, NG, G).astype(jnp.int32)
    dir_wide = jnp.pad(dir_table, ((0, 0), (0, DIRW - 2)))
    row, col, dir_ = _gather3(idx, row_table, col_table, dir_wide)
    return (
        row.reshape(BATCH, HIST, LENGTH),
        col.reshape(BATCH, HIST, LENGTH),
        dir_.reshape(BATCH, HIST, 2),
    )

# --- scband reference (transcript-rebuilt; emitter-appended) ---
"""Pipeline reference for scband-vector-decoder-45054206935290 (READ-ONLY COPY).

The authoritative reference and input builder live on the scoring server;
editing this copy changes nothing except your own understanding.
"""

import jax, jax.numpy as jnp
import numpy as np

IN_SZ = 100000
LENGTH = 64
BATCH = 16384
HIST = 50

def setup_inputs(seed: int = 0) -> dict:
    key = jax.random.key(seed)
    k_idx, k_row, k_col, k_dir = jax.random.split(key, 4)
    inp = jax.random.randint(k_idx, (BATCH, HIST), 0, IN_SZ, dtype=jnp.int64)
    row_table = jax.random.normal(k_row, (IN_SZ, LENGTH), dtype=jnp.float32)
    col_table = jax.random.normal(k_col, (IN_SZ, LENGTH), dtype=jnp.float32)
    dir_table = jax.random.normal(k_dir, (IN_SZ, 2), dtype=jnp.float32)
    return {"input": inp, "row_table": row_table, "col_table": col_table, "dir_table": dir_table}

def reference(input, row_table, col_table, dir_table):
    # nn.Embedding lookup == gather rows of the table by index
    row = jnp.take(row_table, input, axis=0)
    col = jnp.take(col_table, input, axis=0)
    dir = jnp.take(dir_table, input, axis=0)
    return (row, col, dir)

if __name__ == "__main__":
    import jax
    _d = setup_inputs()
    print(jax.jit(kernel)(*tuple(_d.values())))

</pallas_src>

<mosaic_0001>
#map = affine_map<(d0, d1) -> (0, 0, 0)>
#map1 = affine_map<(d0, d1) -> (0, 0)>
module attributes {stable_mosaic.version = 14 : i64} {
  func.func @_gather3(%arg0: i32, %arg1: i32, %arg2: memref<32x200x128xi32, #tpu.memory_space<hbm>>, %arg3: memref<100000x64xf32, #tpu.memory_space<hbm>>, %arg4: memref<100000x64xf32, #tpu.memory_space<hbm>>, %arg5: memref<100000x16xf32, #tpu.memory_space<hbm>>, %arg6: memref<819200x64xf32, #tpu.memory_space<hbm>>, %arg7: memref<819200x64xf32, #tpu.memory_space<hbm>>, %arg8: memref<819200x2xf32, #tpu.memory_space<hbm>>, %arg9: memref<200x128xi32, #tpu.memory_space<vmem>>, %arg10: memref<128x64xf32, #tpu.memory_space<vmem>>, %arg11: memref<128x64xf32, #tpu.memory_space<vmem>>, %arg12: memref<128x16xf32, #tpu.memory_space<vmem>>, %arg13: memref<128x64xf32, #tpu.memory_space<vmem>>, %arg14: memref<128x64xf32, #tpu.memory_space<vmem>>, %arg15: memref<128x16xf32, #tpu.memory_space<vmem>>, %arg16: memref<!tpu.dma_semaphore, #tpu.memory_space<semaphore_mem>>, %arg17: memref<!tpu.dma_semaphore, #tpu.memory_space<semaphore_mem>>, %arg18: memref<!tpu.dma_semaphore, #tpu.memory_space<semaphore_mem>>) attributes {dimension_semantics = [#tpu.dimension_semantics<core_parallel>, #tpu.dimension_semantics<subcore_parallel>], iteration_bounds = array<i64: 2, 16>, scalar_prefetch = 0 : i64, scratch_operands = 10 : i64, tpu.core_type = #tpu.core_type<sc_vector_subcore>, window_params = [{transform_indices = #map}, {transform_indices = #map1}, {transform_indices = #map1}, {transform_indices = #map1}, {transform_indices = #map1}, {transform_indices = #map1}, {transform_indices = #map1}]} {
    %mul3A = arith.constant 2 : i32
    %mul3A_0 = arith.muli %arg1, %mul3A : i32
    %add3A = arith.addi %mul3A_0, %arg0 : i32
    %mul3A_1 = arith.constant 25600 : i32
    %mul3A_2 = arith.muli %add3A, %mul3A_1 : i32
    "tpu.region"() ({
      %run_scoped3A = tpu.sem_alloc : memref<!tpu.dma_semaphore, #tpu.memory_space<semaphore_mem>>
      %dma_start3A_185 = arith.constant 0 : i32
      %dma_start3A_186 = arith.constant 0 : i32
      %dma_start3A_187 = tpu.memref_slice %arg2[%add3A, %dma_start3A_185, %dma_start3A_186] : memref<32x200x128xi32, #tpu.memory_space<hbm>> -> memref<1x200x128xi32, #tpu.memory_space<hbm>>
      %dma_start3A_188 = tpu.memref_squeeze %dma_start3A_187 : memref<1x200x128xi32, #tpu.memory_space<hbm>> -> memref<200x128xi32, #tpu.memory_space<hbm>>
      %dma_start3A_189 = arith.constant 0 : i32
      %dma_start3A_190 = arith.constant 0 : i32
      %dma_start3A_191 = tpu.memref_slice %arg2[%add3A, %dma_start3A_189, %dma_start3A_190] : memref<32x200x128xi32, #tpu.memory_space<hbm>> -> memref<1x200x128xi32, #tpu.memory_space<hbm>>
      %dma_start3A_192 = tpu.memref_squeeze %dma_start3A_191 : memref<1x200x128xi32, #tpu.memory_space<hbm>> -> memref<200x128xi32, #tpu.memory_space<hbm>>
      tpu.enqueue_dma source(%dma_start3A_192 : memref<200x128xi32, #tpu.memory_space<hbm>>) target(%arg9 : memref<200x128xi32, #tpu.memory_space<vmem>>) target_semaphore(%run_scoped3A : memref<!tpu.dma_semaphore, #tpu.memory_space<semaphore_mem>>)
      %dma_wait3A_193 = arith.constant 0 : i32
      %dma_wait3A_194 = arith.constant 0 : i32
      %dma_wait3A_195 = tpu.memref_slice %arg2[%add3A, %dma_wait3A_193, %dma_wait3A_194] : memref<32x200x128xi32, #tpu.memory_space<hbm>> -> memref<1x200x128xi32, #tpu.memory_space<hbm>>
      %dma_wait3A_196 = tpu.memref_squeeze %dma_wait3A_195 : memref<1x200x128xi32, #tpu.memory_space<hbm>> -> memref<200x128xi32, #tpu.memory_space<hbm>>
      %dma_wait3A_197 = arith.constant 0 : i32
      %dma_wait3A_198 = arith.constant 0 : i32
      %dma_wait3A_199 = tpu.memref_slice %arg2[%add3A, %dma_wait3A_197, %dma_wait3A_198] : memref<32x200x128xi32, #tpu.memory_space<hbm>> -> memref<1x200x128xi32, #tpu.memory_space<hbm>>
      %dma_wait3A_200 = tpu.memref_squeeze %dma_wait3A_199 : memref<1x200x128xi32, #tpu.memory_space<hbm>> -> memref<200x128xi32, #tpu.memory_space<hbm>>
      tpu.wait_dma2 semaphore(%run_scoped3A : memref<!tpu.dma_semaphore, #tpu.memory_space<semaphore_mem>>) src(%dma_wait3A_200 : memref<200x128xi32, #tpu.memory_space<hbm>>) dst(%arg9 : memref<200x128xi32, #tpu.memory_space<vmem>>)
      tpu.yield
    }) : () -> ()
    %dma_start3A = arith.constant 0 : i32
    %dma_start3A_3 = arith.constant 0 : i32
    %dma_start3A_4 = tpu.memref_slice %arg9[%dma_start3A, %dma_start3A_3] : memref<200x128xi32, #tpu.memory_space<vmem>> -> memref<1x128xi32, #tpu.memory_space<vmem>>
    %dma_start3A_5 = tpu.memref_squeeze %dma_start3A_4 : memref<1x128xi32, #tpu.memory_space<vmem>> -> memref<128xi32, #tpu.memory_space<vmem>>
    %dma_start3A_6 = arith.constant 0 : i32
    %dma_start3A_7 = arith.constant 0 : i32
    %dma_start3A_8 = tpu.memref_slice %arg3[%dma_start3A_6, %dma_start3A_7] : memref<100000x64xf32, #tpu.memory_space<hbm>> -> memref<100000x64xf32, #tpu.memory_space<hbm>>
    tpu.enqueue_indirect_dma source(%dma_start3A_8 : memref<100000x64xf32, #tpu.memory_space<hbm>>) target(%arg10 : memref<128x64xf32, #tpu.memory_space<vmem>>) offsets(%dma_start3A_5 : memref<128xi32, #tpu.memory_space<vmem>>) semaphore(%arg16 : memref<!tpu.dma_semaphore, #tpu.memory_space<semaphore_mem>>)
    %dma_start3A_9 = arith.constant 0 : i32
    %dma_start3A_10 = arith.constant 0 : i32
    %dma_start3A_11 = tpu.memref_slice %arg9[%dma_start3A_9, %dma_start3A_10] : memref<200x128xi32, #tpu.memory_space<vmem>> -> memref<1x128xi32, #tpu.memory_space<vmem>>
    %dma_start3A_12 = tpu.memref_squeeze %dma_start3A_11 : memref<1x128xi32, #tpu.memory_space<vmem>> -> memref<128xi32, #tpu.memory_space<vmem>>
    %dma_start3A_13 = arith.constant 0 : i32
    %dma_start3A_14 = arith.constant 0 : i32
    %dma_start3A_15 = tpu.memref_slice %arg4[%dma_start3A_13, %dma_start3A_14] : memref<100000x64xf32, #tpu.memory_space<hbm>> -> memref<100000x64xf32, #tpu.memory_space<hbm>>
    tpu.enqueue_indirect_dma source(%dma_start3A_15 : memref<100000x64xf32, #tpu.memory_space<hbm>>) target(%arg11 : memref<128x64xf32, #tpu.memory_space<vmem>>) offsets(%dma_start3A_12 : memref<128xi32, #tpu.memory_space<vmem>>) semaphore(%arg16 : memref<!tpu.dma_semaphore, #tpu.memory_space<semaphore_mem>>)
    %dma_start3A_16 = arith.constant 0 : i32
    %dma_start3A_17 = arith.constant 0 : i32
    %dma_start3A_18 = tpu.memref_slice %arg9[%dma_start3A_16, %dma_start3A_17] : memref<200x128xi32, #tpu.memory_space<vmem>> -> memref<1x128xi32, #tpu.memory_space<vmem>>
    %dma_start3A_19 = tpu.memref_squeeze %dma_start3A_18 : memref<1x128xi32, #tpu.memory_space<vmem>> -> memref<128xi32, #tpu.memory_space<vmem>>
    %dma_start3A_20 = arith.constant 0 : i32
    %dma_start3A_21 = arith.constant 0 : i32
    %dma_start3A_22 = tpu.memref_slice %arg5[%dma_start3A_20, %dma_start3A_21] : memref<100000x16xf32, #tpu.memory_space<hbm>> -> memref<100000x16xf32, #tpu.memory_space<hbm>>
    tpu.enqueue_indirect_dma source(%dma_start3A_22 : memref<100000x16xf32, #tpu.memory_space<hbm>>) target(%arg12 : memref<128x16xf32, #tpu.memory_space<vmem>>) offsets(%dma_start3A_19 : memref<128xi32, #tpu.memory_space<vmem>>) semaphore(%arg16 : memref<!tpu.dma_semaphore, #tpu.memory_space<semaphore_mem>>)
    %dma_start3A_23 = arith.constant 1 : i32
    %dma_start3A_24 = arith.constant 0 : i32
    %dma_start3A_25 = tpu.memref_slice %arg9[%dma_start3A_23, %dma_start3A_24] : memref<200x128xi32, #tpu.memory_space<vmem>> -> memref<1x128xi32, #tpu.memory_space<vmem>>
    %dma_start3A_26 = tpu.memref_squeeze %dma_start3A_25 : memref<1x128xi32, #tpu.memory_space<vmem>> -> memref<128xi32, #tpu.memory_space<vmem>>
    %dma_start3A_27 = arith.constant 0 : i32
    %dma_start3A_28 = arith.constant 0 : i32
    %dma_start3A_29 = tpu.memref_slice %arg3[%dma_start3A_27, %dma_start3A_28] : memref<100000x64xf32, #tpu.memory_space<hbm>> -> memref<100000x64xf32, #tpu.memory_space<hbm>>
    tpu.enqueue_indirect_dma source(%dma_start3A_29 : memref<100000x64xf32, #tpu.memory_space<hbm>>) target(%arg13 : memref<128x64xf32, #tpu.memory_space<vmem>>) offsets(%dma_start3A_26 : memref<128xi32, #tpu.memory_space<vmem>>) semaphore(%arg17 : memref<!tpu.dma_semaphore, #tpu.memory_space<semaphore_mem>>)
    %dma_start3A_30 = arith.constant 1 : i32
    %dma_start3A_31 = arith.constant 0 : i32
    %dma_start3A_32 = tpu.memref_slice %arg9[%dma_start3A_30, %dma_start3A_31] : memref<200x128xi32, #tpu.memory_space<vmem>> -> memref<1x128xi32, #tpu.memory_space<vmem>>
    %dma_start3A_33 = tpu.memref_squeeze %dma_start3A_32 : memref<1x128xi32, #tpu.memory_space<vmem>> -> memref<128xi32, #tpu.memory_space<vmem>>
    %dma_start3A_34 = arith.constant 0 : i32
    %dma_start3A_35 = arith.constant 0 : i32
    %dma_start3A_36 = tpu.memref_slice %arg4[%dma_start3A_34, %dma_start3A_35] : memref<100000x64xf32, #tpu.memory_space<hbm>> -> memref<100000x64xf32, #tpu.memory_space<hbm>>
    tpu.enqueue_indirect_dma source(%dma_start3A_36 : memref<100000x64xf32, #tpu.memory_space<hbm>>) target(%arg14 : memref<128x64xf32, #tpu.memory_space<vmem>>) offsets(%dma_start3A_33 : memref<128xi32, #tpu.memory_space<vmem>>) semaphore(%arg17 : memref<!tpu.dma_semaphore, #tpu.memory_space<semaphore_mem>>)
    %dma_start3A_37 = arith.constant 1 : i32
    %dma_start3A_38 = arith.constant 0 : i32
    %dma_start3A_39 = tpu.memref_slice %arg9[%dma_start3A_37, %dma_start3A_38] : memref<200x128xi32, #tpu.memory_space<vmem>> -> memref<1x128xi32, #tpu.memory_space<vmem>>
    %dma_start3A_40 = tpu.memref_squeeze %dma_start3A_39 : memref<1x128xi32, #tpu.memory_space<vmem>> -> memref<128xi32, #tpu.memory_space<vmem>>
    %dma_start3A_41 = arith.constant 0 : i32
    %dma_start3A_42 = arith.constant 0 : i32
    %dma_start3A_43 = tpu.memref_slice %arg5[%dma_start3A_41, %dma_start3A_42] : memref<100000x16xf32, #tpu.memory_space<hbm>> -> memref<100000x16xf32, #tpu.memory_space<hbm>>
    tpu.enqueue_indirect_dma source(%dma_start3A_43 : memref<100000x16xf32, #tpu.memory_space<hbm>>) target(%arg15 : memref<128x16xf32, #tpu.memory_space<vmem>>) offsets(%dma_start3A_40 : memref<128xi32, #tpu.memory_space<vmem>>) semaphore(%arg17 : memref<!tpu.dma_semaphore, #tpu.memory_space<semaphore_mem>>)
    %scan3A = arith.constant 0 : i32
    %scan3A_44 = arith.constant 99 : i32
    %scan3A_45 = arith.addi %scan3A, %scan3A_44 : i32
    %scan3A_46 = arith.constant 1 : i32
    scf.for %scan3A_185 = %scan3A to %scan3A_45 step %scan3A_46  : i32 {
      %mul3A_186 = arith.constant 2 : i32
      %mul3A_187 = arith.muli %scan3A_185, %mul3A_186 : i32
      %add3A_188 = arith.constant 0 : i32
      %add3A_189 = arith.addi %add3A_188, %mul3A_187 : i32
      %add3A_190 = arith.constant 0 : i32
      %add3A_191 = arith.addi %add3A_189, %add3A_190 : i32
      %dma_wait3A_192 = arith.constant 0 : i32
      %dma_wait3A_193 = tpu.memref_slice %arg9[%add3A_191, %dma_wait3A_192] : memref<200x128xi32, #tpu.memory_space<vmem>> -> memref<1x128xi32, #tpu.memory_space<vmem>>
      %dma_wait3A_194 = tpu.memref_squeeze %dma_wait3A_193 : memref<1x128xi32, #tpu.memory_space<vmem>> -> memref<128xi32, #tpu.memory_space<vmem>>
      %dma_wait3A_195 = arith.constant 0 : i32
      %dma_wait3A_196 = arith.constant 0 : i32
      %dma_wait3A_197 = tpu.memref_slice %arg3[%dma_wait3A_195, %dma_wait3A_196] : memref<100000x64xf32, #tpu.memory_space<hbm>> -> memref<100000x64xf32, #tpu.memory_space<hbm>>
      tpu.wait_indirect_dma semaphore(%arg16 : memref<!tpu.dma_semaphore, #tpu.memory_space<semaphore_mem>>) src(%dma_wait3A_197 : memref<100000x64xf32, #tpu.memory_space<hbm>>) dst(%arg10 : memref<128x64xf32, #tpu.memory_space<vmem>>)
      %dma_wait3A_198 = arith.constant 0 : i32
      %dma_wait3A_199 = tpu.memref_slice %arg9[%add3A_191, %dma_wait3A_198] : memref<200x128xi32, #tpu.memory_space<vmem>> -> memref<1x128xi32, #tpu.memory_space<vmem>>
      %dma_wait3A_200 = tpu.memref_squeeze %dma_wait3A_199 : memref<1x128xi32, #tpu.memory_space<vmem>> -> memref<128xi32, #tpu.memory_space<vmem>>
      %dma_wait3A_201 = arith.constant 0 : i32
      %dma_wait3A_202 = arith.constant 0 : i32
      %dma_wait3A_203 = tpu.memref_slice %arg4[%dma_wait3A_201, %dma_wait3A_202] : memref<100000x64xf32, #tpu.memory_space<hbm>> -> memref<100000x64xf32, #tpu.memory_space<hbm>>
      tpu.wait_indirect_dma semaphore(%arg16 : memref<!tpu.dma_semaphore, #tpu.memory_space<semaphore_mem>>) src(%dma_wait3A_203 : memref<100000x64xf32, #tpu.memory_space<hbm>>) dst(%arg11 : memref<128x64xf32, #tpu.memory_space<vmem>>)
      %dma_wait3A_204 = arith.constant 0 : i32
      %dma_wait3A_205 = tpu.memref_slice %arg9[%add3A_191, %dma_wait3A_204] : memref<200x128xi32, #tpu.memory_space<vmem>> -> memref<1x128xi32, #tpu.memory_space<vmem>>
      %dma_wait3A_206 = tpu.memref_squeeze %dma_wait3A_205 : memref<1x128xi32, #tpu.memory_space<vmem>> -> memref<128xi32, #tpu.memory_space<vmem>>
      %dma_wait3A_207 = arith.constant 0 : i32
      %dma_wait3A_208 = arith.constant 0 : i32
      %dma_wait3A_209 = tpu.memref_slice %arg5[%dma_wait3A_207, %dma_wait3A_208] : memref<100000x16xf32, #tpu.memory_space<hbm>> -> memref<100000x16xf32, #tpu.memory_space<hbm>>
      tpu.wait_indirect_dma semaphore(%arg16 : memref<!tpu.dma_semaphore, #tpu.memory_space<semaphore_mem>>) src(%dma_wait3A_209 : memref<100000x16xf32, #tpu.memory_space<hbm>>) dst(%arg12 : memref<128x16xf32, #tpu.memory_space<vmem>>)
      %mul3A_210 = arith.constant 128 : i32
      %mul3A_211 = arith.muli %add3A_191, %mul3A_210 : i32
      %add3A_212 = arith.addi %mul3A_2, %mul3A_211 : i32
      %dma_start3A_213 = arith.constant 0 : i32
      %dma_start3A_214 = tpu.memref_slice %arg6[%add3A_212, %dma_start3A_213] : memref<819200x64xf32, #tpu.memory_space<hbm>> -> memref<128x64xf32, #tpu.memory_space<hbm>>
      %dma_start3A_215 = arith.constant 0 : i32
      %dma_start3A_216 = tpu.memref_slice %arg6[%add3A_212, %dma_start3A_215] : memref<819200x64xf32, #tpu.memory_space<hbm>> -> memref<128x64xf32, #tpu.memory_space<hbm>>
      tpu.enqueue_dma source(%arg10 : memref<128x64xf32, #tpu.memory_space<vmem>>) target(%dma_start3A_216 : memref<128x64xf32, #tpu.memory_space<hbm>>) target_semaphore(%arg18 : memref<!tpu.dma_semaphore, #tpu.memory_space<semaphore_mem>>)
      %add3A_217 = arith.addi %mul3A_2, %mul3A_211 : i32
      %dma_start3A_218 = arith.constant 0 : i32
      %dma_start3A_219 = tpu.memref_slice %arg7[%add3A_217, %dma_start3A_218] : memref<819200x64xf32, #tpu.memory_space<hbm>> -> memref<128x64xf32, #tpu.memory_space<hbm>>
      %dma_start3A_220 = arith.constant 0 : i32
      %dma_start3A_221 = tpu.memref_slice %arg7[%add3A_217, %dma_start3A_220] : memref<819200x64xf32, #tpu.memory_space<hbm>> -> memref<128x64xf32, #tpu.memory_space<hbm>>
      tpu.enqueue_dma source(%arg11 : memref<128x64xf32, #tpu.memory_space<vmem>>) target(%dma_start3A_221 : memref<128x64xf32, #tpu.memory_space<hbm>>) target_semaphore(%arg18 : memref<!tpu.dma_semaphore, #tpu.memory_space<semaphore_mem>>)
      %add3A_222 = arith.addi %mul3A_2, %mul3A_211 : i32
      %dma_start3A_223 = arith.constant 0 : i32
      %dma_start3A_224 = arith.constant 0 : i32
      %dma_start3A_225 = tpu.memref_slice %arg12[%dma_start3A_223, %dma_start3A_224] : memref<128x16xf32, #tpu.memory_space<vmem>> -> memref<128x2xf32, #tpu.memory_space<vmem>>
      %dma_start3A_226 = arith.constant 0 : i32
      %dma_start3A_227 = tpu.memref_slice %arg8[%add3A_222, %dma_start3A_226] : memref<819200x2xf32, #tpu.memory_space<hbm>> -> memref<128x2xf32, #tpu.memory_space<hbm>>
      %dma_start3A_228 = arith.constant 0 : i32
      %dma_start3A_229 = tpu.memref_slice %arg8[%add3A_222, %dma_start3A_228] : memref<819200x2xf32, #tpu.memory_space<hbm>> -> memref<128x2xf32, #tpu.memory_space<hbm>>
      %dma_start3A_230 = arith.constant 0 : i32
      %dma_start3A_231 = arith.constant 0 : i32
      %dma_start3A_232 = tpu.memref_slice %arg12[%dma_start3A_230, %dma_start3A_231] : memref<128x16xf32, #tpu.memory_space<vmem>> -> memref<128x2xf32, #tpu.memory_space<vmem>>
      tpu.enqueue_dma source(%dma_start3A_232 : memref<128x2xf32, #tpu.memory_space<vmem>>) target(%dma_start3A_229 : memref<128x2xf32, #tpu.memory_space<hbm>>) target_semaphore(%arg18 : memref<!tpu.dma_semaphore, #tpu.memory_space<semaphore_mem>>)
      %mul3A_233 = arith.constant 128 : i32
      %mul3A_234 = arith.muli %add3A_191, %mul3A_233 : i32
      %add3A_235 = arith.addi %mul3A_2, %mul3A_234 : i32
      %dma_wait3A_236 = arith.constant 0 : i32
      %dma_wait3A_237 = tpu.memref_slice %arg6[%add3A_235, %dma_wait3A_236] : memref<819200x64xf32, #tpu.memory_space<hbm>> -> memref<128x64xf32, #tpu.memory_space<hbm>>
      %dma_wait3A_238 = arith.constant 0 : i32
      %dma_wait3A_239 = tpu.memref_slice %arg6[%add3A_235, %dma_wait3A_238] : memref<819200x64xf32, #tpu.memory_space<hbm>> -> memref<128x64xf32, #tpu.memory_space<hbm>>
      tpu.wait_dma2 semaphore(%arg18 : memref<!tpu.dma_semaphore, #tpu.memory_space<semaphore_mem>>) src(%arg10 : memref<128x64xf32, #tpu.memory_space<vmem>>) dst(%dma_wait3A_239 : memref<128x64xf32, #tpu.memory_space<hbm>>)
      %add3A_240 = arith.addi %mul3A_2, %mul3A_234 : i32
      %dma_wait3A_241 = arith.constant 0 : i32
      %dma_wait3A_242 = tpu.memref_slice %arg7[%add3A_240, %dma_wait3A_241] : memref<819200x64xf32, #tpu.memory_space<hbm>> -> memref<128x64xf32, #tpu.memory_space<hbm>>
      %dma_wait3A_243 = arith.constant 0 : i32
      %dma_wait3A_244 = tpu.memref_slice %arg7[%add3A_240, %dma_wait3A_243] : memref<819200x64xf32, #tpu.memory_space<hbm>> -> memref<128x64xf32, #tpu.memory_space<hbm>>
      tpu.wait_dma2 semaphore(%arg18 : memref<!tpu.dma_semaphore, #tpu.memory_space<semaphore_mem>>) src(%arg11 : memref<128x64xf32, #tpu.memory_space<vmem>>) dst(%dma_wait3A_244 : memref<128x64xf32, #tpu.memory_space<hbm>>)
      %add3A_245 = arith.addi %mul3A_2, %mul3A_234 : i32
      %dma_wait3A_246 = arith.constant 0 : i32
      %dma_wait3A_247 = arith.constant 0 : i32
      %dma_wait3A_248 = tpu.memref_slice %arg12[%dma_wait3A_246, %dma_wait3A_247] : memref<128x16xf32, #tpu.memory_space<vmem>> -> memref<128x2xf32, #tpu.memory_space<vmem>>
      %dma_wait3A_249 = arith.constant 0 : i32
      %dma_wait3A_250 = tpu.memref_slice %arg8[%add3A_245, %dma_wait3A_249] : memref<819200x2xf32, #tpu.memory_space<hbm>> -> memref<128x2xf32, #tpu.memory_space<hbm>>
      %dma_wait3A_251 = arith.constant 0 : i32
      %dma_wait3A_252 = tpu.memref_slice %arg8[%add3A_245, %dma_wait3A_251] : memref<819200x2xf32, #tpu.memory_space<hbm>> -> memref<128x2xf32, #tpu.memory_space<hbm>>
      %dma_wait3A_253 = arith.constant 0 : i32
      %dma_wait3A_254 = arith.constant 0 : i32
      %dma_wait3A_255 = tpu.memref_slice %arg12[%dma_wait3A_253, %dma_wait3A_254] : memref<128x16xf32, #tpu.memory_space<vmem>> -> memref<128x2xf32, #tpu.memory_space<vmem>>
      tpu.wait_dma2 semaphore(%arg18 : memref<!tpu.dma_semaphore, #tpu.memory_space<semaphore_mem>>) src(%dma_wait3A_255 : memref<128x2xf32, #tpu.memory_space<vmem>>) dst(%dma_wait3A_252 : memref<128x2xf32, #tpu.memory_space<hbm>>)
      %add3A_256 = arith.constant 2 : i32
      %add3A_257 = arith.addi %add3A_191, %add3A_256 : i32
      %dma_start3A_258 = arith.constant 0 : i32
      %dma_start3A_259 = tpu.memref_slice %arg9[%add3A_257, %dma_start3A_258] : memref<200x128xi32, #tpu.memory_space<vmem>> -> memref<1x128xi32, #tpu.memory_space<vmem>>
      %dma_start3A_260 = tpu.memref_squeeze %dma_start3A_259 : memref<1x128xi32, #tpu.memory_space<vmem>> -> memref<128xi32, #tpu.memory_space<vmem>>
      %dma_start3A_261 = arith.constant 0 : i32
      %dma_start3A_262 = arith.constant 0 : i32
      %dma_start3A_263 = tpu.memref_slice %arg3[%dma_start3A_261, %dma_start3A_262] : memref<100000x64xf32, #tpu.memory_space<hbm>> -> memref<100000x64xf32, #tpu.memory_space<hbm>>
      tpu.enqueue_indirect_dma source(%dma_start3A_263 : memref<100000x64xf32, #tpu.memory_space<hbm>>) target(%arg10 : memref<128x64xf32, #tpu.memory_space<vmem>>) offsets(%dma_start3A_260 : memref<128xi32, #tpu.memory_space<vmem>>) semaphore(%arg16 : memref<!tpu.dma_semaphore, #tpu.memory_space<semaphore_mem>>)
      %dma_start3A_264 = arith.constant 0 : i32
      %dma_start3A_265 = tpu.memref_slice %arg9[%add3A_257, %dma_start3A_264] : memref<200x128xi32, #tpu.memory_space<vmem>> -> memref<1x128xi32, #tpu.memory_space<vmem>>
      %dma_start3A_266 = tpu.memref_squeeze %dma_start3A_265 : memref<1x128xi32, #tpu.memory_space<vmem>> -> memref<128xi32, #tpu.memory_space<vmem>>
      %dma_start3A_267 = arith.constant 0 : i32
      %dma_start3A_268 = arith.constant 0 : i32
      %dma_start3A_269 = tpu.memref_slice %arg4[%dma_start3A_267, %dma_start3A_268] : memref<100000x64xf32, #tpu.memory_space<hbm>> -> memref<100000x64xf32, #tpu.memory_space<hbm>>
      tpu.enqueue_indirect_dma source(%dma_start3A_269 : memref<100000x64xf32, #tpu.memory_space<hbm>>) target(%arg11 : memref<128x64xf32, #tpu.memory_space<vmem>>) offsets(%dma_start3A_266 : memref<128xi32, #tpu.memory_space<vmem>>) semaphore(%arg16 : memref<!tpu.dma_semaphore, #tpu.memory_space<semaphore_mem>>)
      %dma_start3A_270 = arith.constant 0 : i32
      %dma_start3A_271 = tpu.memref_slice %arg9[%add3A_257, %dma_start3A_270] : memref<200x128xi32, #tpu.memory_space<vmem>> -> memref<1x128xi32, #tpu.memory_space<vmem>>
      %dma_start3A_272 = tpu.memref_squeeze %dma_start3A_271 : memref<1x128xi32, #tpu.memory_space<vmem>> -> memref<128xi32, #tpu.memory_space<vmem>>
      %dma_start3A_273 = arith.constant 0 : i32
      %dma_start3A_274 = arith.constant 0 : i32
      %dma_start3A_275 = tpu.memref_slice %arg5[%dma_start3A_273, %dma_start3A_274] : memref<100000x16xf32, #tpu.memory_space<hbm>> -> memref<100000x16xf32, #tpu.memory_space<hbm>>
      tpu.enqueue_indirect_dma source(%dma_start3A_275 : memref<100000x16xf32, #tpu.memory_space<hbm>>) target(%arg12 : memref<128x16xf32, #tpu.memory_space<vmem>>) offsets(%dma_start3A_272 : memref<128xi32, #tpu.memory_space<vmem>>) semaphore(%arg16 : memref<!tpu.dma_semaphore, #tpu.memory_space<semaphore_mem>>)
      %add3A_276 = arith.constant 1 : i32
      %add3A_277 = arith.addi %add3A_189, %add3A_276 : i32
      %dma_wait3A_278 = arith.constant 0 : i32
      %dma_wait3A_279 = tpu.memref_slice %arg9[%add3A_277, %dma_wait3A_278] : memref<200x128xi32, #tpu.memory_space<vmem>> -> memref<1x128xi32, #tpu.memory_space<vmem>>
      %dma_wait3A_280 = tpu.memref_squeeze %dma_wait3A_279 : memref<1x128xi32, #tpu.memory_space<vmem>> -> memref<128xi32, #tpu.memory_space<vmem>>
      %dma_wait3A_281 = arith.constant 0 : i32
      %dma_wait3A_282 = arith.constant 0 : i32
      %dma_wait3A_283 = tpu.memref_slice %arg3[%dma_wait3A_281, %dma_wait3A_282] : memref<100000x64xf32, #tpu.memory_space<hbm>> -> memref<100000x64xf32, #tpu.memory_space<hbm>>
      tpu.wait_indirect_dma semaphore(%arg17 : memref<!tpu.dma_semaphore, #tpu.memory_space<semaphore_mem>>) src(%dma_wait3A_283 : memref<100000x64xf32, #tpu.memory_space<hbm>>) dst(%arg13 : memref<128x64xf32, #tpu.memory_space<vmem>>)
      %dma_wait3A_284 = arith.constant 0 : i32
      %dma_wait3A_285 = tpu.memref_slice %arg9[%add3A_277, %dma_wait3A_284] : memref<200x128xi32, #tpu.memory_space<vmem>> -> memref<1x128xi32, #tpu.memory_space<vmem>>
      %dma_wait3A_286 = tpu.memref_squeeze %dma_wait3A_285 : memref<1x128xi32, #tpu.memory_space<vmem>> -> memref<128xi32, #tpu.memory_space<vmem>>
      %dma_wait3A_287 = arith.constant 0 : i32
      %dma_wait3A_288 = arith.constant 0 : i32
      %dma_wait3A_289 = tpu.memref_slice %arg4[%dma_wait3A_287, %dma_wait3A_288] : memref<100000x64xf32, #tpu.memory_space<hbm>> -> memref<100000x64xf32, #tpu.memory_space<hbm>>
      tpu.wait_indirect_dma semaphore(%arg17 : memref<!tpu.dma_semaphore, #tpu.memory_space<semaphore_mem>>) src(%dma_wait3A_289 : memref<100000x64xf32, #tpu.memory_space<hbm>>) dst(%arg14 : memref<128x64xf32, #tpu.memory_space<vmem>>)
      %dma_wait3A_290 = arith.constant 0 : i32
      %dma_wait3A_291 = tpu.memref_slice %arg9[%add3A_277, %dma_wait3A_290] : memref<200x128xi32, #tpu.memory_space<vmem>> -> memref<1x128xi32, #tpu.memory_space<vmem>>
      %dma_wait3A_292 = tpu.memref_squeeze %dma_wait3A_291 : memref<1x128xi32, #tpu.memory_space<vmem>> -> memref<128xi32, #tpu.memory_space<vmem>>
      %dma_wait3A_293 = arith.constant 0 : i32
      %dma_wait3A_294 = arith.constant 0 : i32
      %dma_wait3A_295 = tpu.memref_slice %arg5[%dma_wait3A_293, %dma_wait3A_294] : memref<100000x16xf32, #tpu.memory_space<hbm>> -> memref<100000x16xf32, #tpu.memory_space<hbm>>
      tpu.wait_indirect_dma semaphore(%arg17 : memref<!tpu.dma_semaphore, #tpu.memory_space<semaphore_mem>>) src(%dma_wait3A_295 : memref<100000x16xf32, #tpu.memory_space<hbm>>) dst(%arg15 : memref<128x16xf32, #tpu.memory_space<vmem>>)
      %mul3A_296 = arith.constant 128 : i32
      %mul3A_297 = arith.muli %add3A_277, %mul3A_296 : i32
      %add3A_298 = arith.addi %mul3A_2, %mul3A_297 : i32
      %dma_start3A_299 = arith.constant 0 : i32
      %dma_start3A_300 = tpu.memref_slice %arg6[%add3A_298, %dma_start3A_299] : memref<819200x64xf32, #tpu.memory_space<hbm>> -> memref<128x64xf32, #tpu.memory_space<hbm>>
      %dma_start3A_301 = arith.constant 0 : i32
      %dma_start3A_302 = tpu.memref_slice %arg6[%add3A_298, %dma_start3A_301] : memref<819200x64xf32, #tpu.memory_space<hbm>> -> memref<128x64xf32, #tpu.memory_space<hbm>>
      tpu.enqueue_dma source(%arg13 : memref<128x64xf32, #tpu.memory_space<vmem>>) target(%dma_start3A_302 : memref<128x64xf32, #tpu.memory_space<hbm>>) target_semaphore(%arg18 : memref<!tpu.dma_semaphore, #tpu.memory_space<semaphore_mem>>)
      %add3A_303 = arith.addi %mul3A_2, %mul3A_297 : i32
      %dma_start3A_304 = arith.constant 0 : i32
      %dma_start3A_305 = tpu.memref_slice %arg7[%add3A_303, %dma_start3A_304] : memref<819200x64xf32, #tpu.memory_space<hbm>> -> memref<128x64xf32, #tpu.memory_space<hbm>>
      %dma_start3A_306 = arith.constant 0 : i32
      %dma_start3A_307 = tpu.memref_slice %arg7[%add3A_303, %dma_start3A_306] : memref<819200x64xf32, #tpu.memory_space<hbm>> -> memref<128x64xf32, #tpu.memory_space<hbm>>
      tpu.enqueue_dma source(%arg14 : memref<128x64xf32, #tpu.memory_space<vmem>>) target(%dma_start3A_307 : memref<128x64xf32, #tpu.memory_space<hbm>>) target_semaphore(%arg18 : memref<!tpu.dma_semaphore, #tpu.memory_space<semaphore_mem>>)
      %add3A_308 = arith.addi %mul3A_2, %mul3A_297 : i32
      %dma_start3A_309 = arith.constant 0 : i32
      %dma_start3A_310 = arith.constant 0 : i32
      %dma_start3A_311 = tpu.memref_slice %arg15[%dma_start3A_309, %dma_start3A_310] : memref<128x16xf32, #tpu.memory_space<vmem>> -> memref<128x2xf32, #tpu.memory_space<vmem>>
      %dma_start3A_312 = arith.constant 0 : i32
      %dma_start3A_313 = tpu.memref_slice %arg8[%add3A_308, %dma_start3A_312] : memref<819200x2xf32, #tpu.memory_space<hbm>> -> memref<128x2xf32, #tpu.memory_space<hbm>>
      %dma_start3A_314 = arith.constant 0 : i32
      %dma_start3A_315 = tpu.memref_slice %arg8[%add3A_308, %dma_start3A_314] : memref<819200x2xf32, #tpu.memory_space<hbm>> -> memref<128x2xf32, #tpu.memory_space<hbm>>
      %dma_start3A_316 = arith.constant 0 : i32
      %dma_start3A_317 = arith.constant 0 : i32
      %dma_start3A_318 = tpu.memref_slice %arg15[%dma_start3A_316, %dma_start3A_317] : memref<128x16xf32, #tpu.memory_space<vmem>> -> memref<128x2xf32, #tpu.memory_space<vmem>>
      tpu.enqueue_dma source(%dma_start3A_318 : memref<128x2xf32, #tpu.memory_space<vmem>>) target(%dma_start3A_315 : memref<128x2xf32, #tpu.memory_space<hbm>>) target_semaphore(%arg18 : memref<!tpu.dma_semaphore, #tpu.memory_space<semaphore_mem>>)
      %mul3A_319 = arith.constant 128 : i32
      %mul3A_320 = arith.muli %add3A_277, %mul3A_319 : i32
      %add3A_321 = arith.addi %mul3A_2, %mul3A_320 : i32
      %dma_wait3A_322 = arith.constant 0 : i32
      %dma_wait3A_323 = tpu.memref_slice %arg6[%add3A_321, %dma_wait3A_322] : memref<819200x64xf32, #tpu.memory_space<hbm>> -> memref<128x64xf32, #tpu.memory_space<hbm>>
      %dma_wait3A_324 = arith.constant 0 : i32
      %dma_wait3A_325 = tpu.memref_slice %arg6[%add3A_321, %dma_wait3A_324] : memref<819200x64xf32, #tpu.memory_space<hbm>> -> memref<128x64xf32, #tpu.memory_space<hbm>>
      tpu.wait_dma2 semaphore(%arg18 : memref<!tpu.dma_semaphore, #tpu.memory_space<semaphore_mem>>) src(%arg13 : memref<128x64xf32, #tpu.memory_space<vmem>>) dst(%dma_wait3A_325 : memref<128x64xf32, #tpu.memory_space<hbm>>)
      %add3A_326 = arith.addi %mul3A_2, %mul3A_320 : i32
      %dma_wait3A_327 = arith.constant 0 : i32
      %dma_wait3A_328 = tpu.memref_slice %arg7[%add3A_326, %dma_wait3A_327] : memref<819200x64xf32, #tpu.memory_space<hbm>> -> memref<128x64xf32, #tpu.memory_space<hbm>>
      %dma_wait3A_329 = arith.constant 0 : i32
      %dma_wait3A_330 = tpu.memref_slice %arg7[%add3A_326, %dma_wait3A_329] : memref<819200x64xf32, #tpu.memory_space<hbm>> -> memref<128x64xf32, #tpu.memory_space<hbm>>
      tpu.wait_dma2 semaphore(%arg18 : memref<!tpu.dma_semaphore, #tpu.memory_space<semaphore_mem>>) src(%arg14 : memref<128x64xf32, #tpu.memory_space<vmem>>) dst(%dma_wait3A_330 : memref<128x64xf32, #tpu.memory_space<hbm>>)
      %add3A_331 = arith.addi %mul3A_2, %mul3A_320 : i32
      %dma_wait3A_332 = arith.constant 0 : i32
      %dma_wait3A_333 = arith.constant 0 : i32
      %dma_wait3A_334 = tpu.memref_slice %arg15[%dma_wait3A_332, %dma_wait3A_333] : memref<128x16xf32, #tpu.memory_space<vmem>> -> memref<128x2xf32, #tpu.memory_space<vmem>>
      %dma_wait3A_335 = arith.constant 0 : i32
      %dma_wait3A_336 = tpu.memref_slice %arg8[%add3A_331, %dma_wait3A_335] : memref<819200x2xf32, #tpu.memory_space<hbm>> -> memref<128x2xf32, #tpu.memory_space<hbm>>
      %dma_wait3A_337 = arith.constant 0 : i32
      %dma_wait3A_338 = tpu.memref_slice %arg8[%add3A_331, %dma_wait3A_337] : memref<819200x2xf32, #tpu.memory_space<hbm>> -> memref<128x2xf32, #tpu.memory_space<hbm>>
      %dma_wait3A_339 = arith.constant 0 : i32
      %dma_wait3A_340 = arith.constant 0 : i32
      %dma_wait3A_341 = tpu.memref_slice %arg15[%dma_wait3A_339, %dma_wait3A_340] : memref<128x16xf32, #tpu.memory_space<vmem>> -> memref<128x2xf32, #tpu.memory_space<vmem>>
      tpu.wait_dma2 semaphore(%arg18 : memref<!tpu.dma_semaphore, #tpu.memory_space<semaphore_mem>>) src(%dma_wait3A_341 : memref<128x2xf32, #tpu.memory_space<vmem>>) dst(%dma_wait3A_338 : memref<128x2xf32, #tpu.memory_space<hbm>>)
      %add3A_342 = arith.constant 2 : i32
      %add3A_343 = arith.addi %add3A_277, %add3A_342 : i32
      %dma_start3A_344 = arith.constant 0 : i32
      %dma_start3A_345 = tpu.memref_slice %arg9[%add3A_343, %dma_start3A_344] : memref<200x128xi32, #tpu.memory_space<vmem>> -> memref<1x128xi32, #tpu.memory_space<vmem>>
      %dma_start3A_346 = tpu.memref_squeeze %dma_start3A_345 : memref<1x128xi32, #tpu.memory_space<vmem>> -> memref<128xi32, #tpu.memory_space<vmem>>
      %dma_start3A_347 = arith.constant 0 : i32
      %dma_start3A_348 = arith.constant 0 : i32
      %dma_start3A_349 = tpu.memref_slice %arg3[%dma_start3A_347, %dma_start3A_348] : memref<100000x64xf32, #tpu.memory_space<hbm>> -> memref<100000x64xf32, #tpu.memory_space<hbm>>
      tpu.enqueue_indirect_dma source(%dma_start3A_349 : memref<100000x64xf32, #tpu.memory_space<hbm>>) target(%arg13 : memref<128x64xf32, #tpu.memory_space<vmem>>) offsets(%dma_start3A_346 : memref<128xi32, #tpu.memory_space<vmem>>) semaphore(%arg17 : memref<!tpu.dma_semaphore, #tpu.memory_space<semaphore_mem>>)
      %dma_start3A_350 = arith.constant 0 : i32
      %dma_start3A_351 = tpu.memref_slice %arg9[%add3A_343, %dma_start3A_350] : memref<200x128xi32, #tpu.memory_space<vmem>> -> memref<1x128xi32, #tpu.memory_space<vmem>>
      %dma_start3A_352 = tpu.memref_squeeze %dma_start3A_351 : memref<1x128xi32, #tpu.memory_space<vmem>> -> memref<128xi32, #tpu.memory_space<vmem>>
      %dma_start3A_353 = arith.constant 0 : i32
      %dma_start3A_354 = arith.constant 0 : i32
      %dma_start3A_355 = tpu.memref_slice %arg4[%dma_start3A_353, %dma_start3A_354] : memref<100000x64xf32, #tpu.memory_space<hbm>> -> memref<100000x64xf32, #tpu.memory_space<hbm>>
      tpu.enqueue_indirect_dma source(%dma_start3A_355 : memref<100000x64xf32, #tpu.memory_space<hbm>>) target(%arg14 : memref<128x64xf32, #tpu.memory_space<vmem>>) offsets(%dma_start3A_352 : memref<128xi32, #tpu.memory_space<vmem>>) semaphore(%arg17 : memref<!tpu.dma_semaphore, #tpu.memory_space<semaphore_mem>>)
      %dma_start3A_356 = arith.constant 0 : i32
      %dma_start3A_357 = tpu.memref_slice %arg9[%add3A_343, %dma_start3A_356] : memref<200x128xi32, #tpu.memory_space<vmem>> -> memref<1x128xi32, #tpu.memory_space<vmem>>
      %dma_start3A_358 = tpu.memref_squeeze %dma_start3A_357 : memref<1x128xi32, #tpu.memory_space<vmem>> -> memref<128xi32, #tpu.memory_space<vmem>>
      %dma_start3A_359 = arith.constant 0 : i32
      %dma_start3A_360 = arith.constant 0 : i32
      %dma_start3A_361 = tpu.memref_slice %arg5[%dma_start3A_359, %dma_start3A_360] : memref<100000x16xf32, #tpu.memory_space<hbm>> -> memref<100000x16xf32, #tpu.memory_space<hbm>>
      tpu.enqueue_indirect_dma source(%dma_start3A_361 : memref<100000x16xf32, #tpu.memory_space<hbm>>) target(%arg15 : memref<128x16xf32, #tpu.memory_space<vmem>>) offsets(%dma_start3A_358 : memref<128xi32, #tpu.memory_space<vmem>>) semaphore(%arg17 : memref<!tpu.dma_semaphore, #tpu.memory_space<semaphore_mem>>)
    }
    %scan3A_47 = arith.constant 99 : i32
    %dma_wait3A = arith.constant 198 : i32
    %dma_wait3A_48 = arith.constant 0 : i32
    %dma_wait3A_49 = tpu.memref_slice %arg9[%dma_wait3A, %dma_wait3A_48] : memref<200x128xi32, #tpu.memory_space<vmem>> -> memref<1x128xi32, #tpu.memory_space<vmem>>
    %dma_wait3A_50 = tpu.memref_squeeze %dma_wait3A_49 : memref<1x128xi32, #tpu.memory_space<vmem>> -> memref<128xi32, #tpu.memory_space<vmem>>
    %dma_wait3A_51 = arith.constant 0 : i32
    %dma_wait3A_52 = arith.constant 0 : i32
    %dma_wait3A_53 = tpu.memref_slice %arg3[%dma_wait3A_51, %dma_wait3A_52] : memref<100000x64xf32, #tpu.memory_space<hbm>> -> memref<100000x64xf32, #tpu.memory_space<hbm>>
    tpu.wait_indirect_dma semaphore(%arg16 : memref<!tpu.dma_semaphore, #tpu.memory_space<semaphore_mem>>) src(%dma_wait3A_53 : memref<100000x64xf32, #tpu.memory_space<hbm>>) dst(%arg10 : memref<128x64xf32, #tpu.memory_space<vmem>>)
    %dma_wait3A_54 = arith.constant 198 : i32
    %dma_wait3A_55 = arith.constant 0 : i32
    %dma_wait3A_56 = tpu.memref_slice %arg9[%dma_wait3A_54, %dma_wait3A_55] : memref<200x128xi32, #tpu.memory_space<vmem>> -> memref<1x128xi32, #tpu.memory_space<vmem>>
    %dma_wait3A_57 = tpu.memref_squeeze %dma_wait3A_56 : memref<1x128xi32, #tpu.memory_space<vmem>> -> memref<128xi32, #tpu.memory_space<vmem>>
    %dma_wait3A_58 = arith.constant 0 : i32
    %dma_wait3A_59 = arith.constant 0 : i32
    %dma_wait3A_60 = tpu.memref_slice %arg4[%dma_wait3A_58, %dma_wait3A_59] : memref<100000x64xf32, #tpu.memory_space<hbm>> -> memref<100000x64xf32, #tpu.memory_space<hbm>>
    tpu.wait_indirect_dma semaphore(%arg16 : memref<!tpu.dma_semaphore, #tpu.memory_space<semaphore_mem>>) src(%dma_wait3A_60 : memref<100000x64xf32, #tpu.memory_space<hbm>>) dst(%arg11 : memref<128x64xf32, #tpu.memory_space<vmem>>)
    %dma_wait3A_61 = arith.constant 198 : i32
    %dma_wait3A_62 = arith.constant 0 : i32
    %dma_wait3A_63 = tpu.memref_slice %arg9[%dma_wait3A_61, %dma_wait3A_62] : memref<200x128xi32, #tpu.memory_space<vmem>> -> memref<1x128xi32, #tpu.memory_space<vmem>>
    %dma_wait3A_64 = tpu.memref_squeeze %dma_wait3A_63 : memref<1x128xi32, #tpu.memory_space<vmem>> -> memref<128xi32, #tpu.memory_space<vmem>>
    %dma_wait3A_65 = arith.constant 0 : i32
    %dma_wait3A_66 = arith.constant 0 : i32
    %dma_wait3A_67 = tpu.memref_slice %arg5[%dma_wait3A_65, %dma_wait3A_66] : memref<100000x16xf32, #tpu.memory_space<hbm>> -> memref<100000x16xf32, #tpu.memory_space<hbm>>
    tpu.wait_indirect_dma semaphore(%arg16 : memref<!tpu.dma_semaphore, #tpu.memory_space<semaphore_mem>>) src(%dma_wait3A_67 : memref<100000x16xf32, #tpu.memory_space<hbm>>) dst(%arg12 : memref<128x16xf32, #tpu.memory_space<vmem>>)
    %add3A_68 = arith.constant 25344 : i32
    %add3A_69 = arith.addi %mul3A_2, %add3A_68 : i32
    %dma_start3A_70 = arith.constant 0 : i32
    %dma_start3A_71 = tpu.memref_slice %arg6[%add3A_69, %dma_start3A_70] : memref<819200x64xf32, #tpu.memory_space<hbm>> -> memref<128x64xf32, #tpu.memory_space<hbm>>
    %dma_start3A_72 = arith.constant 0 : i32
    %dma_start3A_73 = tpu.memref_slice %arg6[%add3A_69, %dma_start3A_72] : memref<819200x64xf32, #tpu.memory_space<hbm>> -> memref<128x64xf32, #tpu.memory_space<hbm>>
    tpu.enqueue_dma source(%arg10 : memref<128x64xf32, #tpu.memory_space<vmem>>) target(%dma_start3A_73 : memref<128x64xf32, #tpu.memory_space<hbm>>) target_semaphore(%arg18 : memref<!tpu.dma_semaphore, #tpu.memory_space<semaphore_mem>>)
    %add3A_74 = arith.constant 25344 : i32
    %add3A_75 = arith.addi %mul3A_2, %add3A_74 : i32
    %dma_start3A_76 = arith.constant 0 : i32
    %dma_start3A_77 = tpu.memref_slice %arg7[%add3A_75, %dma_start3A_76] : memref<819200x64xf32, #tpu.memory_space<hbm>> -> memref<128x64xf32, #tpu.memory_space<hbm>>
    %dma_start3A_78 = arith.constant 0 : i32
    %dma_start3A_79 = tpu.memref_slice %arg7[%add3A_75, %dma_start3A_78] : memref<819200x64xf32, #tpu.memory_space<hbm>> -> memref<128x64xf32, #tpu.memory_space<hbm>>
    tpu.enqueue_dma source(%arg11 : memref<128x64xf32, #tpu.memory_space<vmem>>) target(%dma_start3A_79 : memref<128x64xf32, #tpu.memory_space<hbm>>) target_semaphore(%arg18 : memref<!tpu.dma_semaphore, #tpu.memory_space<semaphore_mem>>)
    %add3A_80 = arith.constant 25344 : i32
    %add3A_81 = arith.addi %mul3A_2, %add3A_80 : i32
    %dma_start3A_82 = arith.constant 0 : i32
    %dma_start3A_83 = arith.constant 0 : i32
    %dma_start3A_84 = tpu.memref_slice %arg12[%dma_start3A_82, %dma_start3A_83] : memref<128x16xf32, #tpu.memory_space<vmem>> -> memref<128x2xf32, #tpu.memory_space<vmem>>
    %dma_start3A_85 = arith.constant 0 : i32
    %dma_start3A_86 = tpu.memref_slice %arg8[%add3A_81, %dma_start3A_85] : memref<819200x2xf32, #tpu.memory_space<hbm>> -> memref<128x2xf32, #tpu.memory_space<hbm>>
    %dma_start3A_87 = arith.constant 0 : i32
    %dma_start3A_88 = tpu.memref_slice %arg8[%add3A_81, %dma_start3A_87] : memref<819200x2xf32, #tpu.memory_space<hbm>> -> memref<128x2xf32, #tpu.memory_space<hbm>>
    %dma_start3A_89 = arith.constant 0 : i32
    %dma_start3A_90 = arith.constant 0 : i32
    %dma_start3A_91 = tpu.memref_slice %arg12[%dma_start3A_89, %dma_start3A_90] : memref<128x16xf32, #tpu.memory_space<vmem>> -> memref<128x2xf32, #tpu.memory_space<vmem>>
    tpu.enqueue_dma source(%dma_start3A_91 : memref<128x2xf32, #tpu.memory_space<vmem>>) target(%dma_start3A_88 : memref<128x2xf32, #tpu.memory_space<hbm>>) target_semaphore(%arg18 : memref<!tpu.dma_semaphore, #tpu.memory_space<semaphore_mem>>)
    %add3A_92 = arith.constant 25344 : i32
    %add3A_93 = arith.addi %mul3A_2, %add3A_92 : i32
    %dma_wait3A_94 = arith.constant 0 : i32
    %dma_wait3A_95 = tpu.memref_slice %arg6[%add3A_93, %dma_wait3A_94] : memref<819200x64xf32, #tpu.memory_space<hbm>> -> memref<128x64xf32, #tpu.memory_space<hbm>>
    %dma_wait3A_96 = arith.constant 0 : i32
    %dma_wait3A_97 = tpu.memref_slice %arg6[%add3A_93, %dma_wait3A_96] : memref<819200x64xf32, #tpu.memory_space<hbm>> -> memref<128x64xf32, #tpu.memory_space<hbm>>
    tpu.wait_dma2 semaphore(%arg18 : memref<!tpu.dma_semaphore, #tpu.memory_space<semaphore_mem>>) src(%arg10 : memref<128x64xf32, #tpu.memory_space<vmem>>) dst(%dma_wait3A_97 : memref<128x64xf32, #tpu.memory_space<hbm>>)
    %add3A_98 = arith.constant 25344 : i32
    %add3A_99 = arith.addi %mul3A_2, %add3A_98 : i32
    %dma_wait3A_100 = arith.constant 0 : i32
    %dma_wait3A_101 = tpu.memref_slice %arg7[%add3A_99, %dma_wait3A_100] : memref<819200x64xf32, #tpu.memory_space<hbm>> -> memref<128x64xf32, #tpu.memory_space<hbm>>
    %dma_wait3A_102 = arith.constant 0 : i32
    %dma_wait3A_103 = tpu.memref_slice %arg7[%add3A_99, %dma_wait3A_102] : memref<819200x64xf32, #tpu.memory_space<hbm>> -> memref<128x64xf32, #tpu.memory_space<hbm>>
    tpu.wait_dma2 semaphore(%arg18 : memref<!tpu.dma_semaphore, #tpu.memory_space<semaphore_mem>>) src(%arg11 : memref<128x64xf32, #tpu.memory_space<vmem>>) dst(%dma_wait3A_103 : memref<128x64xf32, #tpu.memory_space<hbm>>)
    %add3A_104 = arith.constant 25344 : i32
    %add3A_105 = arith.addi %mul3A_2, %add3A_104 : i32
    %dma_wait3A_106 = arith.constant 0 : i32
    %dma_wait3A_107 = arith.constant 0 : i32
    %dma_wait3A_108 = tpu.memref_slice %arg12[%dma_wait3A_106, %dma_wait3A_107] : memref<128x16xf32, #tpu.memory_space<vmem>> -> memref<128x2xf32, #tpu.memory_space<vmem>>
    %dma_wait3A_109 = arith.constant 0 : i32
    %dma_wait3A_110 = tpu.memref_slice %arg8[%add3A_105, %dma_wait3A_109] : memref<819200x2xf32, #tpu.memory_space<hbm>> -> memref<128x2xf32, #tpu.memory_space<hbm>>
    %dma_wait3A_111 = arith.constant 0 : i32
    %dma_wait3A_112 = tpu.memref_slice %arg8[%add3A_105, %dma_wait3A_111] : memref<819200x2xf32, #tpu.memory_space<hbm>> -> memref<128x2xf32, #tpu.memory_space<hbm>>
    %dma_wait3A_113 = arith.constant 0 : i32
    %dma_wait3A_114 = arith.constant 0 : i32
    %dma_wait3A_115 = tpu.memref_slice %arg12[%dma_wait3A_113, %dma_wait3A_114] : memref<128x16xf32, #tpu.memory_space<vmem>> -> memref<128x2xf32, #tpu.memory_space<vmem>>
    tpu.wait_dma2 semaphore(%arg18 : memref<!tpu.dma_semaphore, #tpu.memory_space<semaphore_mem>>) src(%dma_wait3A_115 : memref<128x2xf32, #tpu.memory_space<vmem>>) dst(%dma_wait3A_112 : memref<128x2xf32, #tpu.memory_space<hbm>>)
    %dma_wait3A_116 = arith.constant 199 : i32
    %dma_wait3A_117 = arith.constant 0 : i32
    %dma_wait3A_118 = tpu.memref_slice %arg9[%dma_wait3A_116, %dma_wait3A_117] : memref<200x128xi32, #tpu.memory_space<vmem>> -> memref<1x128xi32, #tpu.memory_space<vmem>>
    %dma_wait3A_119 = tpu.memref_squeeze %dma_wait3A_118 : memref<1x128xi32, #tpu.memory_space<vmem>> -> memref<128xi32, #tpu.memory_space<vmem>>
    %dma_wait3A_120 = arith.constant 0 : i32
    %dma_wait3A_121 = arith.constant 0 : i32
    %dma_wait3A_122 = tpu.memref_slice %arg3[%dma_wait3A_120, %dma_wait3A_121] : memref<100000x64xf32, #tpu.memory_space<hbm>> -> memref<100000x64xf32, #tpu.memory_space<hbm>>
    tpu.wait_indirect_dma semaphore(%arg17 : memref<!tpu.dma_semaphore, #tpu.memory_space<semaphore_mem>>) src(%dma_wait3A_122 : memref<100000x64xf32, #tpu.memory_space<hbm>>) dst(%arg13 : memref<128x64xf32, #tpu.memory_space<vmem>>)
    %dma_wait3A_123 = arith.constant 199 : i32
    %dma_wait3A_124 = arith.constant 0 : i32
    %dma_wait3A_125 = tpu.memref_slice %arg9[%dma_wait3A_123, %dma_wait3A_124] : memref<200x128xi32, #tpu.memory_space<vmem>> -> memref<1x128xi32, #tpu.memory_space<vmem>>
    %dma_wait3A_126 = tpu.memref_squeeze %dma_wait3A_125 : memref<1x128xi32, #tpu.memory_space<vmem>> -> memref<128xi32, #tpu.memory_space<vmem>>
    %dma_wait3A_127 = arith.constant 0 : i32
    %dma_wait3A_128 = arith.constant 0 : i32
    %dma_wait3A_129 = tpu.memref_slice %arg4[%dma_wait3A_127, %dma_wait3A_128] : memref<100000x64xf32, #tpu.memory_space<hbm>> -> memref<100000x64xf32, #tpu.memory_space<hbm>>
    tpu.wait_indirect_dma semaphore(%arg17 : memref<!tpu.dma_semaphore, #tpu.memory_space<semaphore_mem>>) src(%dma_wait3A_129 : memref<100000x64xf32, #tpu.memory_space<hbm>>) dst(%arg14 : memref<128x64xf32, #tpu.memory_space<vmem>>)
    %dma_wait3A_130 = arith.constant 199 : i32
    %dma_wait3A_131 = arith.constant 0 : i32
    %dma_wait3A_132 = tpu.memref_slice %arg9[%dma_wait3A_130, %dma_wait3A_131] : memref<200x128xi32, #tpu.memory_space<vmem>> -> memref<1x128xi32, #tpu.memory_space<vmem>>
    %dma_wait3A_133 = tpu.memref_squeeze %dma_wait3A_132 : memref<1x128xi32, #tpu.memory_space<vmem>> -> memref<128xi32, #tpu.memory_space<vmem>>
    %dma_wait3A_134 = arith.constant 0 : i32
    %dma_wait3A_135 = arith.constant 0 : i32
    %dma_wait3A_136 = tpu.memref_slice %arg5[%dma_wait3A_134, %dma_wait3A_135] : memref<100000x16xf32, #tpu.memory_space<hbm>> -> memref<100000x16xf32, #tpu.memory_space<hbm>>
    tpu.wait_indirect_dma semaphore(%arg17 : memref<!tpu.dma_semaphore, #tpu.memory_space<semaphore_mem>>) src(%dma_wait3A_136 : memref<100000x16xf32, #tpu.memory_space<hbm>>) dst(%arg15 : memref<128x16xf32, #tpu.memory_space<vmem>>)
    %add3A_137 = arith.constant 25472 : i32
    %add3A_138 = arith.addi %mul3A_2, %add3A_137 : i32
    %dma_start3A_139 = arith.constant 0 : i32
    %dma_start3A_140 = tpu.memref_slice %arg6[%add3A_138, %dma_start3A_139] : memref<819200x64xf32, #tpu.memory_space<hbm>> -> memref<128x64xf32, #tpu.memory_space<hbm>>
    %dma_start3A_141 = arith.constant 0 : i32
    %dma_start3A_142 = tpu.memref_slice %arg6[%add3A_138, %dma_start3A_141] : memref<819200x64xf32, #tpu.memory_space<hbm>> -> memref<128x64xf32, #tpu.memory_space<hbm>>
    tpu.enqueue_dma source(%arg13 : memref<128x64xf32, #tpu.memory_space<vmem>>) target(%dma_start3A_142 : memref<128x64xf32, #tpu.memory_space<hbm>>) target_semaphore(%arg18 : memref<!tpu.dma_semaphore, #tpu.memory_space<semaphore_mem>>)
    %add3A_143 = arith.constant 25472 : i32
    %add3A_144 = arith.addi %mul3A_2, %add3A_143 : i32
    %dma_start3A_145 = arith.constant 0 : i32
    %dma_start3A_146 = tpu.memref_slice %arg7[%add3A_144, %dma_start3A_145] : memref<819200x64xf32, #tpu.memory_space<hbm>> -> memref<128x64xf32, #tpu.memory_space<hbm>>
    %dma_start3A_147 = arith.constant 0 : i32
    %dma_start3A_148 = tpu.memref_slice %arg7[%add3A_144, %dma_start3A_147] : memref<819200x64xf32, #tpu.memory_space<hbm>> -> memref<128x64xf32, #tpu.memory_space<hbm>>
    tpu.enqueue_dma source(%arg14 : memref<128x64xf32, #tpu.memory_space<vmem>>) target(%dma_start3A_148 : memref<128x64xf32, #tpu.memory_space<hbm>>) target_semaphore(%arg18 : memref<!tpu.dma_semaphore, #tpu.memory_space<semaphore_mem>>)
    %add3A_149 = arith.constant 25472 : i32
    %add3A_150 = arith.addi %mul3A_2, %add3A_149 : i32
    %dma_start3A_151 = arith.constant 0 : i32
    %dma_start3A_152 = arith.constant 0 : i32
    %dma_start3A_153 = tpu.memref_slice %arg15[%dma_start3A_151, %dma_start3A_152] : memref<128x16xf32, #tpu.memory_space<vmem>> -> memref<128x2xf32, #tpu.memory_space<vmem>>
    %dma_start3A_154 = arith.constant 0 : i32
    %dma_start3A_155 = tpu.memref_slice %arg8[%add3A_150, %dma_start3A_154] : memref<819200x2xf32, #tpu.memory_space<hbm>> -> memref<128x2xf32, #tpu.memory_space<hbm>>
    %dma_start3A_156 = arith.constant 0 : i32
    %dma_start3A_157 = tpu.memref_slice %arg8[%add3A_150, %dma_start3A_156] : memref<819200x2xf32, #tpu.memory_space<hbm>> -> memref<128x2xf32, #tpu.memory_space<hbm>>
    %dma_start3A_158 = arith.constant 0 : i32
    %dma_start3A_159 = arith.constant 0 : i32
    %dma_start3A_160 = tpu.memref_slice %arg15[%dma_start3A_158, %dma_start3A_159] : memref<128x16xf32, #tpu.memory_space<vmem>> -> memref<128x2xf32, #tpu.memory_space<vmem>>
    tpu.enqueue_dma source(%dma_start3A_160 : memref<128x2xf32, #tpu.memory_space<vmem>>) target(%dma_start3A_157 : memref<128x2xf32, #tpu.memory_space<hbm>>) target_semaphore(%arg18 : memref<!tpu.dma_semaphore, #tpu.memory_space<semaphore_mem>>)
    %add3A_161 = arith.constant 25472 : i32
    %add3A_162 = arith.addi %mul3A_2, %add3A_161 : i32
    %dma_wait3A_163 = arith.constant 0 : i32
    %dma_wait3A_164 = tpu.memref_slice %arg6[%add3A_162, %dma_wait3A_163] : memref<819200x64xf32, #tpu.memory_space<hbm>> -> memref<128x64xf32, #tpu.memory_space<hbm>>
    %dma_wait3A_165 = arith.constant 0 : i32
    %dma_wait3A_166 = tpu.memref_slice %arg6[%add3A_162, %dma_wait3A_165] : memref<819200x64xf32, #tpu.memory_space<hbm>> -> memref<128x64xf32, #tpu.memory_space<hbm>>
    tpu.wait_dma2 semaphore(%arg18 : memref<!tpu.dma_semaphore, #tpu.memory_space<semaphore_mem>>) src(%arg13 : memref<128x64xf32, #tpu.memory_space<vmem>>) dst(%dma_wait3A_166 : memref<128x64xf32, #tpu.memory_space<hbm>>)
    %add3A_167 = arith.constant 25472 : i32
    %add3A_168 = arith.addi %mul3A_2, %add3A_167 : i32
    %dma_wait3A_169 = arith.constant 0 : i32
    %dma_wait3A_170 = tpu.memref_slice %arg7[%add3A_168, %dma_wait3A_169] : memref<819200x64xf32, #tpu.memory_space<hbm>> -> memref<128x64xf32, #tpu.memory_space<hbm>>
    %dma_wait3A_171 = arith.constant 0 : i32
    %dma_wait3A_172 = tpu.memref_slice %arg7[%add3A_168, %dma_wait3A_171] : memref<819200x64xf32, #tpu.memory_space<hbm>> -> memref<128x64xf32, #tpu.memory_space<hbm>>
    tpu.wait_dma2 semaphore(%arg18 : memref<!tpu.dma_semaphore, #tpu.memory_space<semaphore_mem>>) src(%arg14 : memref<128x64xf32, #tpu.memory_space<vmem>>) dst(%dma_wait3A_172 : memref<128x64xf32, #tpu.memory_space<hbm>>)
    %add3A_173 = arith.constant 25472 : i32
    %add3A_174 = arith.addi %mul3A_2, %add3A_173 : i32
    %dma_wait3A_175 = arith.constant 0 : i32
    %dma_wait3A_176 = arith.constant 0 : i32
    %dma_wait3A_177 = tpu.memref_slice %arg15[%dma_wait3A_175, %dma_wait3A_176] : memref<128x16xf32, #tpu.memory_space<vmem>> -> memref<128x2xf32, #tpu.memory_space<vmem>>
    %dma_wait3A_178 = arith.constant 0 : i32
    %dma_wait3A_179 = tpu.memref_slice %arg8[%add3A_174, %dma_wait3A_178] : memref<819200x2xf32, #tpu.memory_space<hbm>> -> memref<128x2xf32, #tpu.memory_space<hbm>>
    %dma_wait3A_180 = arith.constant 0 : i32
    %dma_wait3A_181 = tpu.memref_slice %arg8[%add3A_174, %dma_wait3A_180] : memref<819200x2xf32, #tpu.memory_space<hbm>> -> memref<128x2xf32, #tpu.memory_space<hbm>>
    %dma_wait3A_182 = arith.constant 0 : i32
    %dma_wait3A_183 = arith.constant 0 : i32
    %dma_wait3A_184 = tpu.memref_slice %arg15[%dma_wait3A_182, %dma_wait3A_183] : memref<128x16xf32, #tpu.memory_space<vmem>> -> memref<128x2xf32, #tpu.memory_space<vmem>>
    tpu.wait_dma2 semaphore(%arg18 : memref<!tpu.dma_semaphore, #tpu.memory_space<semaphore_mem>>) src(%dma_wait3A_184 : memref<128x2xf32, #tpu.memory_space<vmem>>) dst(%dma_wait3A_181 : memref<128x2xf32, #tpu.memory_space<hbm>>)
    return
  }
}

</mosaic_0001>

<sc_bundles>
// kernel: kernel.3.cloned.1.call-start
scs
__scs_entry_jumppad:
0x0: {  	(pc) =	sbr.rel $0x88, $3  }
0x1: {  	(tag) =	ssettag $0x0;
	lr =	simm.s32 $0x1  }
0x2: {  	[smem:$0x3F9D] =	sst lr;
	_ =	strace $0xD0000000  }
0x3: {  	_ = 	snop  }
0x4: {  	_ = 	snop  }
0x5: {  	_ = 	snop  }
0x6: {  	_ = 	snop  }
0x7: {  	_ = 	snop  }
__scs_overlays_trampoline_lowered:
0x8: {  	[smem:$0x3FAC] =	sst s0  }
0x9: {  	[smem:$0x3FAD] =	sst s1  }
0xa: {  	[smem:$0x3FAE] =	sst s2  }
0xb: {  	[smem:$0x3FAF] =	sst s3  }
0xc: {  	[smem:$0x3FB0] =	sst s4  }
0xd: {  	[smem:$0x3FB1] =	sst s5  }
0xe: {  	[smem:$0x3FB2] =	sst s6  }
0xf: {  	[smem:$0x3FB3] =	sst s7  }
0x10: {  	[smem:$0x3FB4] =	sst s8  }
0x11: {  	[smem:$0x3FB5] =	sst s9;
	s0 =	simm.s32 @!p0 $0x0  }
0x12: {  	s1 =	sld [smem:$0x3F9B];
	s0 =	simm.s32 @p0 $0x1  }
0x13: {  	[smem:$0x3FB6] =	sst s0;
	s0 =	simm.s32 @!p1 $0x0  }
0x14: {  	s2 =	sld [smem:$0x3F9A];
	s0 =	simm.s32 @p1 $0x1  }
0x15: {  	[smem:$0x3FB7] =	sst s0;
	s0 =	simm.s32 @!p2 $0x0  }
0x16: {  	s3 =	sld [smem:$0x3FDB];
	s0 =	simm.s32 @p2 $0x1  }
0x17: {  	s4 =	simm.s32 $0x1BF5;
	[smem:$0x3FB9] =	sst s0  }
0x18: {  	s0 =	sld [smem:$0x3F9C];
	_ =	swait.ge [sflag:s4], $0x0  }
0x19: {  	s7 =	sld [smem:$0x3F9D]  }
0x1a: {  	s8 =	sadd.s32 $0xFFFFE003, lr  }
0x1b: {  	s9 =	sadd.s32 $0xFFFFFEF7, lr;
	s5 =	simm.s32 $0xFFFFFFFF;
	p2 =	slt.u32 s8, $0xFFFFF086  }
0x1c: {  	p1 =	slt.u32 s9, $0xF7A;
	s5 =	simm.s32 @!p2 $0x0  }
0x1d: {  	s5 =	simm.s32 @p1 $0x1;
	p0 =	seq.s32 s7, s2  }
0x1e: {  	s7 =	smul.u32 @!p0 $0xF7A, s2;
	p2 =	seq.s32 @!p0 s5, $0x0  }
0x1f: {  	s9 =	smul.u32 $0xF7A, s1;
	s8 =	simm.s32 @!p0 $0x1BF5;
	p2 =	por !p2, p0  }
0x20: {  	[sflag:s8] =	ssyncset.s32 @!p0 $0xFFFFF086;
	s6 =	sadd.s32 @!p0 s3, s7;
	s7 =	simm.s32 @!p0 $0x108  }
0x21: {  	s3 =	sadd.s32 s3, s9;
	s6 =	sadd.s32 @!p0 $0x88, s6;
	s7 =	simm.s32 @p2 $0x1082  }
0x22: {  	[simem:s7], [sflag:s8] =	dma.local @!p0 [hbm:s6], $0xF7A  }
0x23: {  	s9 =	sor.u32 $0xD0000000, s2;
	s6 =	simm.s32 $0x108;
	_ =	swait.ge @!p0 [sflag:s8], $0x0  }
0x24: {  	s3 =	sadd.s32 $0x88, s3;
	s6 =	simm.s32 @!p1 $0x1082;
	[sflag:s4] =	ssyncset.s32 $0xFFFFF086  }
0x25: {  	[simem:s6], [sflag:s4] =	dma.local [hbm:s3], $0xF7A  }
0x26: {  	[smem:$0x3F9D] =	sst s1;
	(tag) =	ssettag s2;
	_ =	strace s9  }
0x27: {  	s1 =	sld [smem:$0x3FAD]  }
0x28: {  	s2 =	sld [smem:$0x3FAE]  }
0x29: {  	s4 =	sld [smem:$0x3FB0]  }
0x2a: {  	p0 =	seq.s32 s5, $0x0;
	s5 =	sld [smem:$0x3FB1]  }
0x2b: {  	s6 =	sld [smem:$0x3FB2]  }
0x2c: {  	s7 =	sld [smem:$0x3FB3]  }
0x2d: {  	s3 =	simm.s32 $0x108;
	s8 =	sld [smem:$0x3FB4]  }
0x2e: {  	s3 =	simm.s32 @!p0 $0x1082;
	s9 =	sld [smem:$0x3FB5]  }
0x2f: {  	lr =	sadd.s32 s0, s3;
	s0 =	sld [smem:$0x3FAC]  }
0x30: {  	s3 =	sld [smem:$0x3FAF]  }
0x31: {  	[smem:$0x3FB8] =	sst s10  }
0x32: {  	s10 =	sld [smem:$0x3FB6];
	_ =	sdelay $0x3  }
0x33: {  	p0 =	seq.s32 s10, $0x1;
	s10 =	sld [smem:$0x3FB8];
	_ =	sdelay $0x3  }
0x34: {  	[smem:$0x3FB8] =	sst s10  }
0x35: {  	s10 =	sld [smem:$0x3FB7];
	_ =	sdelay $0x3  }
0x36: {  	p1 =	seq.s32 s10, $0x1;
	s10 =	sld [smem:$0x3FB8];
	_ =	sdelay $0x3  }
0x37: {  	[smem:$0x3FB8] =	sst s10  }
0x38: {  	s10 =	sld [smem:$0x3FB9]  }
0x39: {  	_ = 	snop;
	(pc) =	sbr.ind lr, $3  }
0x3a: {  	_ = 	snop  }
0x3b: {  	_ = 	snop  }
0x3c: {  	p2 =	seq.s32 s10, $0x1;
	s10 =	sld [smem:$0x3FB8]  }
0x3d: {  	_ =	shalt  }
0x3e: {  	_ =	shalt  }
0x3f: {  	_ =	shalt  }
0x40: {  	_ =	shalt  }
0x41: {  	_ =	shalt  }
0x42: {  	_ =	shalt  }
0x43: {  	_ =	shalt  }
0x44: {  	_ =	shalt  }
0x45: {  	_ =	shalt  }
0x46: {  	_ =	shalt  }
0x47: {  	_ =	shalt  }
0x48: {  	_ =	shalt  }
0x49: {  	_ =	shalt  }
0x4a: {  	_ =	shalt  }
0x4b: {  	_ =	shalt  }
0x4c: {  	_ =	shalt  }
0x4d: {  	_ =	shalt  }
0x4e: {  	_ =	shalt  }
0x4f: {  	_ =	shalt  }
0x50: {  	_ =	shalt  }
0x51: {  	_ =	shalt  }
0x52: {  	_ =	shalt  }
0x53: {  	_ =	shalt  }
0x54: {  	_ =	shalt  }
0x55: {  	_ =	shalt  }
0x56: {  	_ =	shalt  }
0x57: {  	_ =	shalt  }
0x58: {  	_ =	shalt  }
0x59: {  	_ =	shalt  }
0x5a: {  	_ =	shalt  }
0x5b: {  	_ =	shalt  }
0x5c: {  	_ =	shalt  }
0x5d: {  	_ =	shalt  }
0x5e: {  	_ =	shalt  }
0x5f: {  	_ =	shalt  }
0x60: {  	_ =	shalt  }
0x61: {  	_ =	shalt  }
0x62: {  	_ =	shalt  }
0x63: {  	_ =	shalt  }
0x64: {  	_ =	shalt  }
0x65: {  	_ =	shalt  }
0x66: {  	_ =	shalt  }
0x67: {  	_ =	shalt  }
0x68: {  	_ =	shalt  }
0x69: {  	_ =	shalt  }
0x6a: {  	_ =	shalt  }
0x6b: {  	_ =	shalt  }
0x6c: {  	_ =	shalt  }
0x6d: {  	_ =	shalt  }
0x6e: {  	_ =	shalt  }
0x6f: {  	_ =	shalt  }
0x70: {  	_ =	shalt  }
0x71: {  	_ =	shalt  }
0x72: {  	_ =	shalt  }
0x73: {  	_ =	shalt  }
0x74: {  	_ =	shalt  }
0x75: {  	_ =	shalt  }
0x76: {  	_ =	shalt  }
0x77: {  	_ =	shalt  }
0x78: {  	_ =	shalt  }
0x79: {  	_ =	shalt  }
0x7a: {  	_ =	shalt  }
0x7b: {  	_ =	shalt  }
0x7c: {  	_ =	shalt  }
0x7d: {  	_ =	shalt  }
0x7e: {  	_ =	shalt  }
0x7f: {  	_ =	shalt  }
0x80: {  	_ =	shalt  }
0x81: {  	_ =	shalt  }
0x82: {  	_ =	shalt  }
0x83: {  	_ =	shalt  }
0x84: {  	_ =	shalt  }
0x85: {  	_ =	shalt  }
0x86: {  	_ =	shalt  }
0x87: {  	_ =	shalt  }
.Lfunc_end0:
.L_simem_size_0:
called_computation.2_lowered:
.L_overlay_start_0:
0x88: {  	s2 =	sld [smem:$0x3FD9]  }
0x89: {  	s3 =	sld [smem:$0x3FFE];
	_ =	sdelay $0x1  }
0x8a: {  	s1 =	srdreg.scid  }
0x8b: {  	s0 =	sand.u32 $0x1, s1  }
0x8c: {  	s14 =	sshll.u32 s0, $0xA;
	s2 =	sadd.s32 s3, s2  }
0x8d: {  	s2 =	sadd.s32 s2, s14  }
0x8e: {  	[smem:$0x3FC4] =	sst s2  }
0x8f: {  	_ = 	snop  }
0x90: {  	s2 =	sld [smem:$0x3FD0];
	_ =	sdelay $0x2  }
0x91: {  	s15 =	simm.s32 $0xB;
	s4 =	simm.s32 $0x10  }
0x92: {  	[smem:s4], [sflag:s15] =	dma.local [hbm:s2], $0x1  }
0x93: {  	_ =	swait.eq [sflag:s15], $0x1  }
0x94: {  	s16 =	sld [smem:$0x10];
	[sflag:s15] =	ssyncset.done $0x0  }
0x95: {  	s17 =	sld [smem:$0x11];
	[sflag:s15] =	ssyncadd.s32 $0xFFFFFFFF  }
0x96: {  	s18 =	sld [smem:$0x12];
	(tm) =	ssettm $0x1  }
0x97: {  	s5 =	sld [smem:$0x3FFB];
	_ =	sdelay $0x3  }
0x98: {  	_ =	strace s5  }
0x99: {  	s5 =	sld [smem:$0x3FFC];
	_ =	sdelay $0x3  }
0x9a: {  	_ =	strace s5  }
0x9b: {  	s5 =	sld [smem:$0x3FFD];
	_ =	sdelay $0x3  }
0x9c: {  	_ =	strace s5  }
0x9d: {  	_ =	strace $0x8FFFFFFF  }
0x9e: {  	s19 =	sld [smem:$0x3FDB];
	_ =	sdelay $0x1  }
0x9f: {  	s6 =	simm.s32 $_scs_section_size  }
0xa0: {  	s7 =	simm.s32 $_size__tile_overlayer_lowered;
	s8 =	simm.s32 $_tile_overlayer_lowered  }
0xa1: {  	s22 =	simm.s32 $0x1BFF;
	s21 =	sshll.u32 s8, $0x1;
	s5 =	sadd.s32 s6, s19  }
0xa2: {  	s9 =	simm.s32 $0x0;
	s20 =	sshll.u32 s7, $0x1;
	s7 =	sadd.s32 s21, s5  }
0xa3: {  	[timem:s9], [sflag:s22] =	dma.local [hbm:s7], s20  }
0xa4: {  	_ =	swait.ge [sflag:s22], s20  }
0xa5: {  	s6 =	ssub.s32 $0x0, s20;
	[sflag:s22] =	ssyncset.done $0x0  }
0xa6: {  	[sflag:s22] =	ssyncadd.s32 s6;
	_ =	sdelay $0x1  }
0xa7: {  	s23 =	simm.s32 $0x1B8B  }
0xa8: {  	_ =	swait.ge [sflag:s23], $0x1  }
0xa9: {  	[sflag:s23] =	ssyncset.done $0x0  }
0xaa: {  	s25 =	simm.s32 $0x1B8E;
	s24 =	sld [smem:$0x3FFE];
	[sflag:s23] =	ssyncadd.s32 $0xFFFFFFFF  }
0xab: {  	s26 =	simm.s32 $execute0_lowered;
	[smem:$0x3FD2] =	sst s25  }
0xac: {  	s7 =	sshll.u32 s26, $0x1;
	_ =	strace $0x80000046;
	[dreg:$0x1] =	wrdreg $0xFFFFFFFF  }
0xad: {  	s28 =	simm.s32 $_size_execute0_lowered;
	s5 =	sadd.s32 s5, s7;
	[dreg:$0x0] =	wrdreg $0x0  }
0xae: {  	s7 =	sshll.u32 s28, $0x1;
	[dreg:$0x2] =	wrdreg s5  }
0xaf: {  	[dreg:$0x3] =	wrdreg s7  }
0xb0: {  	[dreg:$0x4] =	wrdreg $0xC0  }
0xb1: {  	_ =	task [dreg:s9], $0x5FFFF  }
0xb2: {  	[dreg:$0x1] =	wrdreg $0xFFFFFFFF  }
0xb3: {  	[dreg:$0x0] =	wrdreg $0x60  }
0xb4: {  	[dreg:$0x2] =	wrdreg s24  }
0xb5: {  	[dreg:$0x3] =	wrdreg s18  }
0xb6: {  	[dreg:$0x4] =	wrdreg s16  }
0xb7: {  	[dreg:$0x5] =	wrdreg s17  }
0xb8: {  	[dreg:$0x6] =	wrdreg $0x9  }
0xb9: {  	_ =	task.clear_ibuf [dreg:s9], $0x7FFFF;
	_ =	strace $0x90000046  }
0xba: {  	s29 =	simm.s32 $0x9;
	_ =	strace $0x80000048  }
0xbb: {  	_ =	swait.ge [sflag:s29], $0x1  }
0xbc: {  	[sflag:s29] =	ssyncadd.s32 $0xFFFFFFFF  }
0xbd: {  	_ =	strace $0x90000048  }
0xbe: {  	_ =	sfence  }
0xbf: {  	s30 =	sld [smem:$0x0];
	_ =	sdelay $0x2  }
0xc0: {  	s31 =	sshll.u32 s1, $0xD;
	s1 =	sshrl.u32 s1, $0x2  }
0xc1: {  	s3 =	sand.u32 $0x4000, s31;
	s1 =	sadd.s32 s1, s30  }
0xc2: {  	s0 =	sor.u32 s3, s0;
	s1 =	sshll.u32 s1, $0x11  }
0xc3: {  	s0 =	sor.u32 s1, s0  }
0xc4: {  	s0 =	sadd.s32 $0x8F2B, s0  }
0xc5: {  	[sflag:s0] =	ssyncadd.remote.s32 $0x1  }
0xc6: {  	_ =	sfence.sel $0xFFFF  }
0xc7: {  	[dreg:$0x0] =	wrdreg $0xFFFFFFFF;
	(pc) =	sbr.abs _section_cstart, $3  }
0xc8: {  	[dreg:$0x1] =	wrdreg $0xFFFFFFFF  }
0xc9: {  	_ =	task.clear_ibuf [dreg:s9], $0x2FFFF;
	_ =	strace $0x9FFFFFFF  }
0xca: {  	(tm) =	ssettm $0x7FFFFFFF  }
0xcb: {  	_ =	shalt  }
tec
execute0_lowered:
.L_overlay_start_1:
0x0: {  	(tag) =	ssettag $0x1  }
0x1: {  	s0 =	rddreg [dreg:$0x0];
	s2 =	srdreg.scid  }
0x2: {  	s3 =	stileid.u32;
	s1 =	rddreg [dreg:$0x1]  }
0x3: {  	s6 =	simm.s32 $0x0;
	s18 =	simm.s32 $0x4;
	s19 =	simm.s32 $0x80  }
0x4: {  	s20 =	simm.s32 $0x6400;
	s21 =	simm.s32 $0x8400;
	s22 =	simm.s32 $0xA400  }
0x5: {  	s28 =	simm.s32 $0x3;
	s29 =	simm.s32 $0x2;
	s30 =	simm.s32 $0x0  }
0x6: {  	s2 =	sand.u32 $0x1, s2;
	s4 =	sshll.u32 s3, $0x1;
	s3 =	rddreg [dreg:$0x2]  }
0x7: {  	[smem:$0x7FF] =	sst s6;
	s8 =	sadd.s32 $0xDF600, s0;
	s5 =	sor.u32 s2, s4  }
0x8: {  	s9 =	sadd.s32 $0x1A2C00, s0;
	s2 =	ssub.s32 $0x2, s2;
	s5 =	smul.u32 $0x6400, s5  }
0x9: {  	s4 =	rddreg [dreg:$0x3];
	_ =	strace $0x80000047;
	s23 =	sshrl.u32 s2, $0x1  }
0xa: {  	s7 =	sshrl.u32 s5, $0x3;
	s11 =	sadd.s32 $0x6300, s5;
	s12 =	sadd.s32 $0x6380, s5  }
0xb: {  	s10 =	sadd.s32 s7, s0;
	s7 =	sadd.s32 $0x1C000, s0;
	s0 =	ssub.s32 s2, s23  }
0xc: {  	s24 =	sshll.u32 s11, $0x3;
	s26 =	sshll.u32 s12, $0x3;
	s13 =	sadd.s32 s9, s11  }
0xd: {  	s16 =	sadd.s32 s9, s12;
	s23 =	simm.s32 $0xAC00;
	s10 =	sadd.s32 $0x3000, s10  }
0xe: {  	s25 =	sadd.s32 s3, s24;
	s2 =	sadd.s32 s4, s24;
	[dreg:$0x5] =	wrdreg s10  }
0xf: {  	s31 =	sadd.s32 s3, s26;
	s15 =	sadd.s32 s4, s26;
	[dreg:$0x6] =	wrdreg s25  }
0x10: {  	s17 =	smax.u32 s0, $0x1;
	s24 =	simm.s32 $0xCC00;
	[dreg:$0x7] =	wrdreg s2  }
0x11: {  	s26 =	simm.s32 $0x1;
	[dreg:$0x8] =	wrdreg s31;
	s25 =	simm.s32 $0xEC00  }
.LBB2_1:
0x12: {  	s0 =	rddreg [dreg:$0x5]  }
0x13: {  	[tilespmem:s6], [sflag:$0x4] =	stream.linear.gather [hbm4b:s0+s6], $0x6400, $0x38;
	[tilespmem:$0xF400] =	vst v63  }
0x14: {  	_ =	swait.ge [sflag:s18], $0x6400  }
0x15: {  	[sflag:s18] =	ssyncset.done $0x0  }
0x16: {  	[sflag:s18] =	ssyncadd.s32 $0xFFFF9C00  }
0x17: {  	[tilespmem:s20], [sflag:$0x1] =	stream.indirect.gather [hbm4b:s7+s19], $0x40, s6, s19, $0xb8;
	[tilespmem:$0xF400] =	vst v63  }
0x18: {  	_ = 	snop  }
0x19: {  	[tilespmem:s21], [sflag:$0x1] =	stream.indirect.gather [hbm4b:s8+s19], $0x40, s6, s19, $0xb8;
	[tilespmem:$0xF400] =	vst v63  }
0x1a: {  	_ = 	snop  }
0x1b: {  	[tilespmem:s22], [sflag:$0x1] =	stream.indirect.gather [hbm4b:s1+s19], $0x10, s6, s19, $0xb8;
	[tilespmem:$0xF400] =	vst v63  }
0x1c: {  	_ = 	snop  }
0x1d: {  	[tilespmem:s23], [sflag:$0x2] =	stream.indirect.gather [hbm4b:s7+s19], $0x40, s19, s19, $0xb8;
	[tilespmem:$0xF400] =	vst v63  }
0x1e: {  	_ = 	snop  }
0x1f: {  	[tilespmem:s24], [sflag:$0x2] =	stream.indirect.gather [hbm4b:s8+s19], $0x40, s19, s19, $0xb8;
	[tilespmem:$0xF400] =	vst v63  }
0x20: {  	s31 =	simm.s32 $0x0  }
0x21: {  	[tilespmem:s25], [sflag:$0x2] =	stream.indirect.gather [hbm4b:s1+s19], $0x10, s19, s19, $0xb8;
	[tilespmem:$0xF400] =	vst v63  }
.LBB2_2:
0x22: {  	_ =	swait.ge [sflag:s26], $0x2000  }
0x23: {  	[sflag:s26] =	ssyncset.done $0x0  }
0x24: {  	[sflag:s26] =	ssyncadd.s32 $0xFFFFE000  }
0x25: {  	_ =	swait.ge [sflag:s26], $0x2000  }
0x26: {  	[sflag:s26] =	ssyncset.done $0x0  }
0x27: {  	s0 =	sshll.u32 s31, $0x8;
	[sflag:s26] =	ssyncadd.s32 $0xFFFFE000  }
0x28: {  	s2 =	sadd.s32 s5, s0;
	_ =	swait.ge [sflag:s26], $0x800  }
0x29: {  	s12 =	simm.s32 $0x0;
	s10 =	sshll.u32 s2, $0x3;
	[sflag:s26] =	ssyncset.done $0x0  }
0x2a: {  	s2 =	sadd.s32 s9, s2;
	s11 =	sadd.s32 s3, s10;
	[sflag:s26] =	ssyncadd.s32 $0xFFFFF800  }
0x2b: {  	[hbm4b:s11+s12] =	stream.linear.scatter [tilespmem:s20], [sflag:$0x3], $0x2000, $0x38;
	[tilespmem:$0xF400] =	vst v63  }
0x2c: {  	s10 =	sadd.s32 s4, s10;
	s14 =	sadd.s32 $0x0, s2  }
0x2d: {  	[hbm4b:s10+s12] =	stream.linear.scatter [tilespmem:s21], [sflag:$0x3], $0x2000, $0x38;
	[tilespmem:$0xF400] =	vst v63  }
0x2e: {  	s11 =	simm.s32 $0x1;
	s10 =	simm.s32 $0xA400;
	s12 =	simm.s32 $0xA410  }
.LBB2_3:
0x2f: {  	[hbm4b:s14+s6] =	stream.linear.scatter [tilespmem:s10], [sflag:$0x3], $0x2, $0x38;
	[tilespmem:$0xF400] =	vst v63  }
0x30: {  	s14 =	smov.u32 s11;
	s10 =	smov.u32 s12;
	p0 =	sne.s32 s11, $0x7F  }
.Ltmp0:
0x31: {  	s11 =	sadd.s32 $0x1, s11;
	(pc) =	sbr.rel @p0 .LBB2_3-.Ltmp0, $2  }
0x32: {  	_ =	sdelay $0x2  }
0x33: {  	s12 =	sadd.s32 $0x10, s12;
	s14 =	sadd.s32 s14, s2  }
0x34: {  	[hbm4b:s14+s6] =	stream.linear.scatter [tilespmem:s10], [sflag:$0x3], $0x2, $0x38;
	[tilespmem:$0xF400] =	vst v63  }
0x35: {  	_ =	swait.ge [sflag:s28], $0x2000  }
0x36: {  	[sflag:s28] =	ssyncset.done $0x0  }
0x37: {  	[sflag:s28] =	ssyncadd.s32 $0xFFFFE000  }
0x38: {  	_ =	swait.ge [sflag:s28], $0x2000  }
0x39: {  	[sflag:s28] =	ssyncset.done $0x0  }
0x3a: {  	[sflag:s28] =	ssyncadd.s32 $0xFFFFE000  }
0x3b: {  	_ =	swait.ge [sflag:s28], $0x100  }
0x3c: {  	s2 =	sand.u32 $0x3FFFFF00, s0;
	[sflag:s28] =	ssyncset.done $0x0  }
0x3d: {  	s11 =	sadd.s32 $0x100, s2;
	[sflag:s28] =	ssyncadd.s32 $0xFFFFFF00  }
0x3e: {  	[tilespmem:s20], [sflag:$0x1] =	stream.indirect.gather [hbm4b:s7+s19], $0x40, s11, s19, $0xb8;
	[tilespmem:$0xF400] =	vst v63  }
0x3f: {  	_ = 	snop  }
0x40: {  	[tilespmem:s21], [sflag:$0x1] =	stream.indirect.gather [hbm4b:s8+s19], $0x40, s11, s19, $0xb8;
	[tilespmem:$0xF400] =	vst v63  }
0x41: {  	_ = 	snop  }
0x42: {  	[tilespmem:s22], [sflag:$0x1] =	stream.indirect.gather [hbm4b:s1+s19], $0x10, s11, s19, $0xb8;
	[tilespmem:$0xF400] =	vst v63  }
0x43: {  	_ =	swait.ge [sflag:s29], $0x2000  }
0x44: {  	[sflag:s29] =	ssyncset.done $0x0  }
0x45: {  	[sflag:s29] =	ssyncadd.s32 $0xFFFFE000  }
0x46: {  	_ =	swait.ge [sflag:s29], $0x2000  }
0x47: {  	s12 =	sadd.s32 s0, s5;
	[sflag:s29] =	ssyncset.done $0x0  }
0x48: {  	s0 =	sadd.s32 $0x80, s12;
	[sflag:s29] =	ssyncadd.s32 $0xFFFFE000  }
0x49: {  	s14 =	sshll.u32 s0, $0x3;
	_ =	swait.ge [sflag:s29], $0x800  }
0x4a: {  	s12 =	simm.s32 $0x0;
	s10 =	sand.u32 $0x1FFFFC00, s14;
	[sflag:s29] =	ssyncset.done $0x0  }
0x4b: {  	s0 =	sadd.s32 s9, s0;
	s11 =	sadd.s32 s3, s10;
	[sflag:s29] =	ssyncadd.s32 $0xFFFFF800  }
0x4c: {  	[hbm4b:s11+s12] =	stream.linear.scatter [tilespmem:s23], [sflag:$0x3], $0x2000, $0x38;
	[tilespmem:$0xF400] =	vst v63  }
0x4d: {  	s14 =	sadd.s32 $0x0, s0;
	s10 =	sadd.s32 s4, s10  }
0x4e: {  	[hbm4b:s10+s12] =	stream.linear.scatter [tilespmem:s24], [sflag:$0x3], $0x2000, $0x38;
	[tilespmem:$0xF400] =	vst v63  }
0x4f: {  	s11 =	simm.s32 $0x1;
	s10 =	simm.s32 $0xEC00;
	s12 =	simm.s32 $0xEC10  }
.LBB2_5:
0x50: {  	[hbm4b:s14+s6] =	stream.linear.scatter [tilespmem:s10], [sflag:$0x3], $0x2, $0x38;
	[tilespmem:$0xF400] =	vst v63  }
0x51: {  	s14 =	smov.u32 s11;
	s10 =	smov.u32 s12;
	p0 =	sne.s32 s11, $0x7F  }
.Ltmp1:
0x52: {  	s11 =	sadd.s32 $0x1, s11;
	(pc) =	sbr.rel @p0 .LBB2_5-.Ltmp1, $2  }
0x53: {  	_ =	sdelay $0x2  }
0x54: {  	s12 =	sadd.s32 $0x10, s12;
	s14 =	sadd.s32 s14, s0  }
0x55: {  	[hbm4b:s14+s6] =	stream.linear.scatter [tilespmem:s10], [sflag:$0x3], $0x2, $0x38;
	[tilespmem:$0xF400] =	vst v63  }
0x56: {  	_ =	swait.ge [sflag:s28], $0x2000  }
0x57: {  	[sflag:s28] =	ssyncset.done $0x0  }
0x58: {  	[sflag:s28] =	ssyncadd.s32 $0xFFFFE000  }
0x59: {  	_ =	swait.ge [sflag:s28], $0x2000  }
0x5a: {  	[sflag:s28] =	ssyncset.done $0x0  }
0x5b: {  	[sflag:s28] =	ssyncadd.s32 $0xFFFFE000  }
0x5c: {  	_ =	swait.ge [sflag:s28], $0x100  }
0x5d: {  	s31 =	sadd.s32 $0x1, s31;
	[sflag:s28] =	ssyncset.done $0x0  }
0x5e: {  	s0 =	sadd.s32 $0x180, s2;
	p0 =	sne.s32 s31, $0x63;
	[sflag:s28] =	ssyncadd.s32 $0xFFFFFF00  }
0x5f: {  	[tilespmem:s23], [sflag:$0x2] =	stream.indirect.gather [hbm4b:s7+s19], $0x40, s0, s19, $0xb8;
	[tilespmem:$0xF400] =	vst v63  }
.Ltmp2:
0x60: {  	_ = 	snop;
	(pc) =	sbr.rel @p0 .LBB2_2-.Ltmp2, $4  }
0x61: {  	_ = 	snop  }
0x62: {  	[tilespmem:s24], [sflag:$0x2] =	stream.indirect.gather [hbm4b:s8+s19], $0x40, s0, s19, $0xb8;
	[tilespmem:$0xF400] =	vst v63  }
0x63: {  	_ = 	snop  }
0x64: {  	[tilespmem:s25], [sflag:$0x2] =	stream.indirect.gather [hbm4b:s1+s19], $0x10, s0, s19, $0xb8;
	[tilespmem:$0xF400] =	vst v63  }
0x65: {  	_ =	swait.ge [sflag:s26], $0x2000  }
0x66: {  	[sflag:s26] =	ssyncset.done $0x0  }
0x67: {  	[sflag:s26] =	ssyncadd.s32 $0xFFFFE000  }
0x68: {  	_ =	swait.ge [sflag:s26], $0x2000  }
0x69: {  	[sflag:s26] =	ssyncset.done $0x0  }
0x6a: {  	[sflag:s26] =	ssyncadd.s32 $0xFFFFE000  }
0x6b: {  	_ =	swait.ge [sflag:s26], $0x800  }
0x6c: {  	[sflag:s26] =	ssyncset.done $0x0  }
0x6d: {  	s0 =	simm.s32 $0x0;
	s2 =	rddreg [dreg:$0x6];
	[sflag:s26] =	ssyncadd.s32 $0xFFFFF800  }
0x6e: {  	[hbm4b:s2+s0] =	stream.linear.scatter [tilespmem:s20], [sflag:$0x3], $0x2000, $0x38;
	[tilespmem:$0xF400] =	vst v63  }
0x6f: {  	s11 =	sadd.s32 $0x0, s13;
	s31 =	rddreg [dreg:$0x7]  }
0x70: {  	[hbm4b:s31+s0] =	stream.linear.scatter [tilespmem:s21], [sflag:$0x3], $0x2000, $0x38;
	[tilespmem:$0xF400] =	vst v63  }
0x71: {  	s10 =	simm.s32 $0xA410;
	s2 =	simm.s32 $0x1;
	s0 =	simm.s32 $0xA400  }
.LBB2_8:
0x72: {  	[hbm4b:s11+s6] =	stream.linear.scatter [tilespmem:s0], [sflag:$0x3], $0x2, $0x38;
	[tilespmem:$0xF400] =	vst v63  }
0x73: {  	s11 =	smov.u32 s2;
	s0 =	smov.u32 s10;
	p0 =	sne.s32 s2, $0x7F  }
.Ltmp3:
0x74: {  	s2 =	sadd.s32 $0x1, s2;
	(pc) =	sbr.rel @p0 .LBB2_8-.Ltmp3, $2  }
0x75: {  	_ =	sdelay $0x2  }
0x76: {  	s10 =	sadd.s32 $0x10, s10;
	s11 =	sadd.s32 s11, s13  }
0x77: {  	[hbm4b:s11+s6] =	stream.linear.scatter [tilespmem:s0], [sflag:$0x3], $0x2, $0x38;
	[tilespmem:$0xF400] =	vst v63  }
0x78: {  	_ =	swait.ge [sflag:s28], $0x2000  }
0x79: {  	[sflag:s28] =	ssyncset.done $0x0  }
0x7a: {  	[sflag:s28] =	ssyncadd.s32 $0xFFFFE000  }
0x7b: {  	_ =	swait.ge [sflag:s28], $0x2000  }
0x7c: {  	[sflag:s28] =	ssyncset.done $0x0  }
0x7d: {  	[sflag:s28] =	ssyncadd.s32 $0xFFFFE000  }
0x7e: {  	_ =	swait.ge [sflag:s28], $0x100  }
0x7f: {  	[sflag:s28] =	ssyncset.done $0x0  }
0x80: {  	[sflag:s28] =	ssyncadd.s32 $0xFFFFFF00  }
0x81: {  	_ =	swait.ge [sflag:s29], $0x2000  }
0x82: {  	[sflag:s29] =	ssyncset.done $0x0  }
0x83: {  	[sflag:s29] =	ssyncadd.s32 $0xFFFFE000  }
0x84: {  	_ =	swait.ge [sflag:s29], $0x2000  }
0x85: {  	[sflag:s29] =	ssyncset.done $0x0  }
0x86: {  	[sflag:s29] =	ssyncadd.s32 $0xFFFFE000  }
0x87: {  	_ =	swait.ge [sflag:s29], $0x800  }
0x88: {  	s31 =	simm.s32 $0x0;
	[sflag:s29] =	ssyncset.done $0x0  }
0x89: {  	s0 =	simm.s32 $0xEC00;
	s2 =	rddreg [dreg:$0x8];
	[sflag:s29] =	ssyncadd.s32 $0xFFFFF800  }
0x8a: {  	[hbm4b:s2+s31] =	stream.linear.scatter [tilespmem:s23], [sflag:$0x3], $0x2000, $0x38;
	[tilespmem:$0xF400] =	vst v63  }
0x8b: {  	s11 =	sadd.s32 $0x0, s16;
	s10 =	simm.s32 $0xEC10;
	s2 =	simm.s32 $0x1  }
0x8c: {  	[hbm4b:s15+s31] =	stream.linear.scatter [tilespmem:s24], [sflag:$0x3], $0x2000, $0x38;
	[tilespmem:$0xF400] =	vst v63  }
.LBB2_10:
0x8d: {  	[hbm4b:s11+s6] =	stream.linear.scatter [tilespmem:s0], [sflag:$0x3], $0x2, $0x38;
	[tilespmem:$0xF400] =	vst v63  }
0x8e: {  	s11 =	smov.u32 s2;
	s0 =	smov.u32 s10;
	p0 =	sne.s32 s2, $0x7F  }
.Ltmp4:
0x8f: {  	s2 =	sadd.s32 $0x1, s2;
	(pc) =	sbr.rel @p0 .LBB2_10-.Ltmp4, $2  }
0x90: {  	_ =	sdelay $0x2  }
0x91: {  	s10 =	sadd.s32 $0x10, s10;
	s11 =	sadd.s32 s11, s16  }
0x92: {  	[hbm4b:s11+s6] =	stream.linear.scatter [tilespmem:s0], [sflag:$0x3], $0x2, $0x38;
	[tilespmem:$0xF400] =	vst v63  }
0x93: {  	_ =	swait.ge [sflag:s28], $0x2000  }
0x94: {  	[sflag:s28] =	ssyncset.done $0x0  }
0x95: {  	s30 =	sadd.s32 $0x1, s30;
	[sflag:s28] =	ssyncadd.s32 $0xFFFFE000  }
0x96: {  	p0 =	sne.s32 s30, s17;
	_ =	swait.ge [sflag:s28], $0x2000  }
.Ltmp5:
0x97: {  	[sflag:s28] =	ssyncset.done $0x0;
	(pc) =	sbr.rel @p0 .LBB2_1-.Ltmp5, $4  }
0x98: {  	[sflag:s28] =	ssyncadd.s32 $0xFFFFE000  }
0x99: {  	_ =	swait.ge [sflag:s28], $0x100  }
0x9a: {  	[sflag:s28] =	ssyncset.done $0x0  }
0x9b: {  	[sflag:s28] =	ssyncadd.s32 $0xFFFFFF00  }
0x9c: {  	_ =	sfence.sel $0x180000  }
0x9d: {  	[bflag:$0x0] =	sbarrier.arrive $0xFFFF  }
0x9e: {  	_ =	strace $0x90000047  }
0x9f: {  	s0 =	stileid.u32;
	[bflag:$0x2] =	sbarrier.arrive $0xFFFF  }
0xa0: {  	p0 =	sne.s32 s0, $0x0;
	s0 =	rddreg [dreg:$0x4]  }
0xa1: {  	s0 =	sadd.s32 @!p0 $0x100000, s0  }
0xa2: {  	[sflag:s0] =	ssyncadd.tile.s32 @!p0 $0x1;
	_ =	shalt  }
.Lfunc_end2:
_tile_overlayer_lowered:
.L_overlay_start_2:
0xa3: {  	(tag) =	ssettag $0x2  }
0xa4: {  	s0 =	rddreg [dreg:$0x0];
	s2 =	stileid.u32  }
0xa5: {  	s1 =	rddreg [dreg:$0x1];
	p0 =	sne.s32 s2, $0x0  }
0xa6: {  	s3 =	rddreg [dreg:$0x2];
	[bflag:$0x3] =	sbarrier.arrive $0xFFFF;
	s2 =	simm.s32 @!p0 $0x1C04  }
0xa7: {  	[timem:s3], [sflag:s2] =	dma.local @!p0 [hbm:s0], s1  }
0xa8: {  	s0 =	simm.s32 @!p0 $0x4  }
0xa9: {  	_ =	swait.ge @!p0 [sflag:s0], s1  }
0xaa: {  	s1 =	ssub.s32 @!p0 $0x0, s1;
	[sflag:s0] =	ssyncset.done @!p0 $0x0  }
0xab: {  	[sflag:s0] =	ssyncadd.s32 @!p0 s1  }
0xac: {  	[bflag:$0x3] =	sbarrier.arrive $0xFFFF  }
0xad: {  	_ =	shalt  }

// kernel: sparse-core-data-format-call.1.cloned.1.call-start
scs
called_computation.1_lowered:
.L_overlay_start_0:
0x0: {  	s2 =	sld [smem:$0x3FD9]  }
0x1: {  	s3 =	sld [smem:$0x3FFE];
	_ =	sdelay $0x1  }
0x2: {  	s1 =	srdreg.scid  }
0x3: {  	s0 =	sand.u32 $0x1, s1  }
0x4: {  	s16 =	sshll.u32 s0, $0xA;
	s2 =	sadd.s32 s3, s2  }
0x5: {  	s2 =	sadd.s32 s2, s16  }
0x6: {  	[smem:$0x3FC4] =	sst s2  }
0x7: {  	_ = 	snop  }
0x8: {  	s2 =	sld [smem:$0x3FD0];
	_ =	sdelay $0x2  }
0x9: {  	s17 =	simm.s32 $0xB;
	s4 =	simm.s32 $0x10  }
0xa: {  	[smem:s4], [sflag:s17] =	dma.local [hbm:s2], $0x1  }
0xb: {  	_ =	swait.eq [sflag:s17], $0x1  }
0xc: {  	[sflag:s17] =	ssyncset.done $0x0  }
0xd: {  	[sflag:s17] =	ssyncadd.s32 $0xFFFFFFFF  }
0xe: {  	s18 =	sld [smem:$0x10];
	(tm) =	ssettm $0x1  }
0xf: {  	s19 =	sld [smem:$0x3FFB];
	_ =	sdelay $0x3  }
0x10: {  	_ =	strace s19  }
0x11: {  	s2 =	sld [smem:$0x3FFC];
	_ =	sdelay $0x3  }
0x12: {  	_ =	strace s2  }
0x13: {  	s2 =	sld [smem:$0x3FFD];
	_ =	sdelay $0x3  }
0x14: {  	_ =	strace s2  }
0x15: {  	_ =	strace $0x8FFFFFFF  }
0x16: {  	s20 =	sld [smem:$0x3FDB];
	_ =	sdelay $0x1  }
0x17: {  	s21 =	simm.s32 $_scs_section_size  }
0x18: {  	s5 =	simm.s32 $_size__tile_overlayer_lowered;
	s6 =	simm.s32 $_tile_overlayer_lowered  }
0x19: {  	s7 =	simm.s32 $0x1BFF;
	s22 =	sshll.u32 s6, $0x1;
	s4 =	sadd.s32 s21, s20  }
0x1a: {  	s23 =	simm.s32 $0x0;
	s5 =	sshll.u32 s5, $0x1;
	s6 =	sadd.s32 s22, s4  }
0x1b: {  	[timem:s23], [sflag:s7] =	dma.local [hbm:s6], s5  }
0x1c: {  	_ =	swait.ge [sflag:s7], s5  }
0x1d: {  	s5 =	ssub.s32 $0x0, s5;
	[sflag:s7] =	ssyncset.done $0x0  }
0x1e: {  	[sflag:s7] =	ssyncadd.s32 s5;
	_ =	sdelay $0x1  }
0x1f: {  	s24 =	simm.s32 $0x1B8B  }
0x20: {  	_ =	swait.ge [sflag:s24], $0x1  }
0x21: {  	[sflag:s24] =	ssyncset.done $0x0  }
0x22: {  	[sflag:s24] =	ssyncadd.s32 $0xFFFFFFFF  }
0x23: {  	s5 =	sld [smem:$0x0]  }
0x24: {  	s6 =	sand.u32 $0xFFFFFFFE, s1  }
0x25: {  	p0 =	sne.s32 s1, s6  }
0x26: {  	s6 =	sshll.u32 @p0 s6, $0xE  }
0x27: {  	s6 =	sadd.s32 @p0 $0x11B8D, s6;
	s7 =	sshll.u32 @p0 s5, $0x11  }
0x28: {  	s6 =	sor.u32 @p0 s7, s6  }
0x29: {  	[sflag:s6] =	ssyncadd.remote.s32 @p0 $0x1;
	_ =	sdelay $0x1  }
0x2a: {  	s6 =	simm.s32 @p0 $0x1B8D  }
0x2b: {  	_ =	swait.eq @p0 [sflag:s6], $0x1  }
0x2c: {  	[sflag:s6] =	ssyncadd.s32 @p0 $0xFFFFFFFF  }
0x2d: {  	s7 =	sshll.u32 @!p0 s1, $0xE  }
0x2e: {  	s7 =	sor.u32 @!p0 $0x4000, s7;
	s6 =	simm.s32 @!p0 $0x1B8D  }
0x2f: {  	s5 =	sshll.u32 @!p0 s5, $0x11;
	s7 =	sadd.s32 @!p0 $0x11B8D, s7;
	_ =	swait.eq @!p0 [sflag:s6], $0x1  }
0x30: {  	s5 =	sor.u32 @!p0 s5, s7;
	[sflag:s6] =	ssyncadd.s32 @!p0 $0xFFFFFFFF  }
0x31: {  	s26 =	simm.s32 $0x1B8E;
	s25 =	sld [smem:$0x3FFE];
	[sflag:s5] =	ssyncadd.remote.s32 @!p0 $0x1  }
0x32: {  	s27 =	simm.s32 $execute0_lowered;
	[smem:$0x3FD2] =	sst s26  }
0x33: {  	s6 =	sshll.u32 s27, $0x1;
	_ =	strace $0x8000004C;
	[dreg:$0x1] =	wrdreg $0xFFFFFFFF  }
0x34: {  	s28 =	simm.s32 $_size_execute0_lowered;
	s4 =	sadd.s32 s4, s6;
	[dreg:$0x0] =	wrdreg $0x0  }
0x35: {  	s6 =	sshll.u32 s28, $0x1;
	[dreg:$0x2] =	wrdreg s4  }
0x36: {  	[dreg:$0x3] =	wrdreg s6  }
0x37: {  	[dreg:$0x4] =	wrdreg $0xC0  }
0x38: {  	_ =	task [dreg:s23], $0x5FFFF  }
0x39: {  	[dreg:$0x1] =	wrdreg $0xFFFFFFFF  }
0x3a: {  	[dreg:$0x0] =	wrdreg $0x60  }
0x3b: {  	[dreg:$0x2] =	wrdreg s25  }
0x3c: {  	[dreg:$0x3] =	wrdreg s18  }
0x3d: {  	[dreg:$0x4] =	wrdreg $0xA  }
0x3e: {  	_ =	task.clear_ibuf [dreg:s23], $0x5FFFF;
	_ =	strace $0x9000004C  }
0x3f: {  	s29 =	simm.s32 $0xA;
	_ =	strace $0x8000004E  }
0x40: {  	_ =	swait.ge [sflag:s29], $0x1  }
0x41: {  	[sflag:s29] =	ssyncadd.s32 $0xFFFFFFFF  }
0x42: {  	_ =	strace $0x9000004E  }
0x43: {  	_ =	sfence  }
0x44: {  	s30 =	sld [smem:$0x0];
	_ =	sdelay $0x2  }
0x45: {  	s31 =	sshll.u32 s1, $0xD;
	s1 =	sshrl.u32 s1, $0x2  }
0x46: {  	s4 =	sand.u32 $0x4000, s31;
	s1 =	sadd.s32 s1, s30  }
0x47: {  	s0 =	sor.u32 s4, s0;
	s1 =	sshll.u32 s1, $0x11  }
0x48: {  	s0 =	sor.u32 s1, s0  }
0x49: {  	s0 =	sadd.s32 $0x8F2B, s0  }
0x4a: {  	[sflag:s0] =	ssyncadd.remote.s32 $0x1  }
0x4b: {  	_ =	sfence.sel $0xFFFF  }
0x4c: {  	[dreg:$0x0] =	wrdreg $0xFFFFFFFF;
	(pc) =	sbr.abs _section_cstart, $3  }
0x4d: {  	[dreg:$0x1] =	wrdreg $0xFFFFFFFF  }
0x4e: {  	_ =	task.clear_ibuf [dreg:s23], $0x2FFFF;
	_ =	strace $0x9FFFFFFF  }
0x4f: {  	(tm) =	ssettm $0x7FFFFFFF  }
tec
execute0_lowered:
.L_overlay_start_1:
0x0: {  	(tag) =	ssettag $0x1  }
0x1: {  	s0 =	srdreg.scid  }
0x2: {  	s1 =	sshll.u32 s0, $0x4  }
0x3: {  	s0 =	stileid.u32;
	s1 =	sand.u32 $0x10, s1  }
0x4: {  	s1 =	sor.u32 s0, s1  }
0x5: {  	s6 =	rddreg [dreg:$0x0];
	s4 =	simm.s32 $0x1;
	s2 =	sshll.u32 s1, $0x7  }
0x6: {  	s7 =	simm.s32 $0x2;
	s12 =	simm.s32 $0x0;
	s1 =	ssub.s32 $0x4000, s2  }
0x7: {  	s8 =	simm.s32 $0x20000;
	s13 =	simm.s32 $0x0;
	s3 =	sand.u32 $0xF80, s1  }
0x8: {  	s9 =	simm.s32 $0x0;
	s5 =	sshrl.u32 s1, $0xC;
	p0 =	sne.s32 s3, $0x0  }
.Ltmp0:
0x9: {  	s1 =	rddreg [dreg:$0x2];
	s4 =	simm.s32 @!p0 $0x0;
	(pc) =	sbr.rel .LBB1_1-.Ltmp0, $4  }
0xa: {  	s11 =	simm.s32 $0x0;
	s3 =	rddreg [dreg:$0x1];
	s5 =	sadd.s32 s4, s5  }
0xb: {  	_ =	strace $0x8000004D;
	s4 =	simm.s32 $0x1;
	s5 =	smul.u32 $0x32, s5  }
0xc: {  	s6 =	sadd.s32 $0x106AC00, s6;
	s10 =	smov.u32 s2;
	[sflag:s4] =	ssyncpa.u1 $0x0  }
0xd: {  	p0 =	por $0x0, $0x0;
	[sflag:s7] =	ssyncpa.u1 $0x0;
	s7 =	sor.u32 $0x1, s5  }
.LBB1_4:
0xe: {  	s16 =	sshll.u32 s13, $0x3;
	s17 =	sand.u32 $0x78, s13  }
0xf: {  	s30 =	sand.u32 $0x1F800, s13;
	s12 =	sshll.u32 s12, $0x11;
	s16 =	sand.u32 $0x3C00, s16  }
0x10: {  	[tilespmem:s15+$0x810 ss:$0x81] =	vst.msk $0xffff, v2;
	s31 =	sand.u32 $0x7, s13;
	s16 =	sor.u32 s17, s16;
	s17 =	sadd.s32 s3, s30  }
0x11: {  	[tilespmem:s15+$0x1020 ss:$0x81] =	vst.msk $0xffff, v0;
	s13 =	sshll.u32 s31, $0x12;
	s12 =	sadd.s32 s12, s17;
	s16 =	sshrl.u32 s16, $0x3  }
0x12: {  	[tilespmem:s15+$0x0 ss:$0x81] =	vst.msk $0xffff, v1;
	s13 =	sor.u32 $0x400, s13;
	s12 =	sadd.s32 s16, s12  }
0x13: {  	[hbm4b:s12+s13] =	stream.strided.scatter [tilespmem:s14], [sflag:$0x2], $0x2000, s8, s13, $0x20;
	[tilespmem:$0x8080] =	vst v63  }
.LBB1_5:
0x14: {  	s14 =	sadd.s32 $0x1, s9  }
0x15: {  	s12 =	sadd.s32 $0x1000, s10;
	s16 =	smov.u32 s10;
	p2 =	sgt.s32 s14, $0x31  }
0x16: {  	s16 =	smov.u32 @p2 s12  }
0x17: {  	s14 =	simm.s32 @p2 $0x0;
	p2 =	sgt.s32 s16, $0x3FFF  }
0x18: {  	s16 =	smov.u32 @p2 s2;
	p2 =	sne.s32 s11, s7  }
.Ltmp1:
0x19: {  	p1 =	slt.u32 s11, $0x2;
	(pc) =	sbr.rel @!p2 .LBB1_6-.Ltmp1, $4  }
0x1a: {  	s15 =	simm.s32 @!p1 $0x2  }
0x1b: {  	s13 =	smov.u32 s10;
	p0 =	por !p0, !p0;
	_ =	swait.ge @!p1 [sflag:s15], $0x2000  }
0x1c: {  	s12 =	smov.u32 s9;
	[sflag:s15] =	ssyncset.done @!p1 $0x0;
	s9 =	smov.u32 s14  }
0x1d: {  	s11 =	sadd.s32 $0x1, s11;
	[sflag:s15] =	ssyncadd.s32 @!p1 $0xFFFFE000;
	s10 =	smov.u32 s16  }
.LBB1_1:
0x1e: {  	p1 =	sge.u32 s11, s5  }
0x1f: {  	s14 =	sand.u32 @!p1 $0x1FFFFFF, s9  }
0x20: {  	s15 =	smulhi.u32 @!p1 $0x4924925, s14;
	_ =	sdelay $0x1  }
0x21: {  	s15 =	smul.u32 @!p1 $0x38, s15  }
0x22: {  	s16 =	sxor.u32 @!p1 $0xFFFFFFFF, s11;
	s17 =	smul.u32 @!p1 $0x380, s10  }
0x23: {  	s31 =	sadd.s32 $0xFFFFFFFF, s11;
	s16 =	sshll.u32 @!p1 s16, $0xD;
	s14 =	ssub.s32 @!p1 s14, s15  }
0x24: {  	s15 =	sand.u32 @!p1 $0x2000, s16;
	s16 =	sadd.s32 @!p1 s6, s17;
	s14 =	sshll.u32 @!p1 s14, $0x4  }
0x25: {  	s17 =	simm.s32 @!p1 $0x1C00;
	s14 =	sadd.s32 @!p1 s14, s16;
	s16 =	simm.s32 @!p1 $0x40  }
0x26: {  	[tilespmem:s15], [sflag:$0x1] =	stream.strided.gather @!p1 [hbm4b:s14+s16], $0x2000, s17, s16, $0x38;
	[tilespmem:$0x8080] =	vst v63  }
0x27: {  	p1 =	sge.u32 s31, s5  }
.Ltmp2:
0x28: {  	_ = 	snop;
	(pc) =	sbr.rel @p1 .LBB1_5-.Ltmp2, $1  }
0x29: {  	_ =	sdelay $0x3  }
0x2a: {  	s14 =	simm.s32 $0x1  }
0x2b: {  	_ =	swait.ge [sflag:s4], $0x2000;
	s14 =	simm.s32 @!p0 $0x0  }
0x2c: {  	[sflag:s4] =	ssyncset.done $0x0;
	s15 =	sshll.u32 s14, $0xD  }
0x2d: {  	[sflag:s4] =	ssyncadd.s32 $0xFFFFE000;
	s18 =	sor.u32 $0x20, s15  }
0x2e: {  	s14 =	smul.u32 $0x8100, s14;
	v3 =	vld [tilespmem:s18+$0x10]  }
0x2f: {  	s30 =	sand.u32 $0x1, s11;
	v2 =	vld [tilespmem:s18+$0xFFFFFFF0]  }
0x30: {  	s15 =	smul.u32 $0x8100, s30;
	s14 =	sshrl.u32 s14, $0x2;
	v0 =	vld [tilespmem:s18+$0x0]  }
0x31: {  	v1 =	vld [tilespmem:s18+$0xFFFFFFE0];
	s16 =	sor.u32 $0x4000, s14  }
0x32: {  	s31 =	sshrl.u32 s15, $0x2;
	s15 =	sadd.s32 $0x0, s16  }
0x33: {  	s17 =	simm.s32 $0x4;
	s18 =	sadd.s32 $0x40, s18;
	s14 =	sor.u32 $0x4000, s31;
	[tilespmem:s15+$0x1830 ss:$0x81] =	vst.msk $0xffff, v3  }
.LBB1_3:
0x34: {  	v3 =	vld [tilespmem:s18+$0x10];
	p1 =	sne.s32 s17, $0x1FC;
	[tilespmem:s15+$0x810 ss:$0x81] =	vst.msk $0xffff, v2;
	s19 =	smov.u32 s17;
	s17 =	sadd.s32 $0x4, s17  }
.Ltmp3:
0x35: {  	v2 =	vld [tilespmem:s18+$0xFFFFFFF0];
	[tilespmem:s15+$0x1020 ss:$0x81] =	vst.msk $0xffff, v0;
	(pc) =	sbr.rel @p1 .LBB1_3-.Ltmp3, $4  }
0x36: {  	v0 =	vld [tilespmem:s18+$0x0];
	[tilespmem:s15+$0x0 ss:$0x81] =	vst.msk $0xffff, v1  }
0x37: {  	s15 =	sshra.s32 s19, $0x2;
	v1 =	vld [tilespmem:s18+$0xFFFFFFE0]  }
0x38: {  	s15 =	sadd.s32 s15, s16  }
0x39: {  	s18 =	sadd.s32 $0x40, s18;
	[tilespmem:s15+$0x1830 ss:$0x81] =	vst.msk $0xffff, v3  }
.Ltmp4:
0x3a: {  	_ = 	snop;
	(pc) =	sbr.rel .LBB1_4-.Ltmp4, $1  }
0x3b: {  	_ =	sdelay $0x3  }
.LBB1_6:
0x3c: {  	_ =	sfence.sel $0x180000  }
0x3d: {  	s2 =	simm.s32 $0x1;
	[bflag:$0x0] =	sbarrier.arrive $0xFFFF  }
0x3e: {  	s31 =	simm.s32 $0x2;
	[sflag:s2] =	ssyncpa.u1 $0x1  }
0x3f: {  	[sflag:s31] =	ssyncpa.u1 $0x1  }
0x40: {  	p0 =	sne.s32 s0, $0x0;
	_ =	strace $0x9000004D  }
0x41: {  	s0 =	sadd.s32 @!p0 $0x100000, s1;
	[bflag:$0x2] =	sbarrier.arrive $0xFFFF  }
0x42: {  	[sflag:s0] =	ssyncadd.tile.s32 @!p0 $0x1;
	_ =	shalt  }
.Lfunc_end1:
_tile_overlayer_lowered:
.L_overlay_start_2:
0x43: {  	(tag) =	ssettag $0x2  }
0x44: {  	s0 =	rddreg [dreg:$0x0];
	s2 =	stileid.u32  }
0x45: {  	s1 =	rddreg [dreg:$0x1];
	p0 =	sne.s32 s2, $0x0  }
0x46: {  	s3 =	rddreg [dreg:$0x2];
	[bflag:$0x3] =	sbarrier.arrive $0xFFFF;
	s2 =	simm.s32 @!p0 $0x1C01  }
0x47: {  	[timem:s3], [sflag:s2] =	dma.local @!p0 [hbm:s0], s1  }
0x48: {  	s0 =	simm.s32 @!p0 $0x1  }
0x49: {  	_ =	swait.ge @!p0 [sflag:s0], s1  }
0x4a: {  	s1 =	ssub.s32 @!p0 $0x0, s1;
	[sflag:s0] =	ssyncset.done @!p0 $0x0  }
0x4b: {  	[sflag:s0] =	ssyncadd.s32 @!p0 s1  }
0x4c: {  	[bflag:$0x3] =	sbarrier.arrive $0xFFFF  }
0x4d: {  	_ =	shalt  }

// kernel: sparse-core-data-format-call.cloned.1.call-start
scs
called_computation_lowered:
.L_overlay_start_0:
0x0: {  	s2 =	sld [smem:$0x3FD9]  }
0x1: {  	s3 =	sld [smem:$0x3FFE];
	_ =	sdelay $0x1  }
0x2: {  	s1 =	srdreg.scid  }
0x3: {  	s0 =	sand.u32 $0x1, s1  }
0x4: {  	s15 =	sshll.u32 s0, $0xA;
	s2 =	sadd.s32 s3, s2  }
0x5: {  	s2 =	sadd.s32 s2, s15  }
0x6: {  	[smem:$0x3FC4] =	sst s2  }
0x7: {  	_ = 	snop  }
0x8: {  	s2 =	sld [smem:$0x3FD0];
	_ =	sdelay $0x2  }
0x9: {  	s16 =	simm.s32 $0xB;
	s4 =	simm.s32 $0x10  }
0xa: {  	[smem:s4], [sflag:s16] =	dma.local [hbm:s2], $0x1  }
0xb: {  	_ =	swait.eq [sflag:s16], $0x1  }
0xc: {  	[sflag:s16] =	ssyncset.done $0x0  }
0xd: {  	[sflag:s16] =	ssyncadd.s32 $0xFFFFFFFF  }
0xe: {  	s17 =	sld [smem:$0x11];
	(tm) =	ssettm $0x1  }
0xf: {  	s18 =	sld [smem:$0x3FFB];
	_ =	sdelay $0x3  }
0x10: {  	_ =	strace s18  }
0x11: {  	s3 =	sld [smem:$0x3FFC];
	_ =	sdelay $0x3  }
0x12: {  	_ =	strace s3  }
0x13: {  	s3 =	sld [smem:$0x3FFD];
	_ =	sdelay $0x3  }
0x14: {  	_ =	strace s3  }
0x15: {  	_ =	strace $0x8FFFFFFF  }
0x16: {  	s19 =	sld [smem:$0x3FDB];
	_ =	sdelay $0x1  }
0x17: {  	s20 =	simm.s32 $_scs_section_size  }
0x18: {  	s5 =	simm.s32 $_size__tile_overlayer_lowered;
	s6 =	simm.s32 $_tile_overlayer_lowered  }
0x19: {  	s23 =	simm.s32 $0x1BFF;
	s22 =	sshll.u32 s6, $0x1;
	s3 =	sadd.s32 s20, s19  }
0x1a: {  	s7 =	simm.s32 $0x0;
	s21 =	sshll.u32 s5, $0x1;
	s5 =	sadd.s32 s22, s3  }
0x1b: {  	[timem:s7], [sflag:s23] =	dma.local [hbm:s5], s21  }
0x1c: {  	_ =	swait.ge [sflag:s23], s21  }
0x1d: {  	s4 =	ssub.s32 $0x0, s21;
	[sflag:s23] =	ssyncset.done $0x0  }
0x1e: {  	[sflag:s23] =	ssyncadd.s32 s4;
	_ =	sdelay $0x1  }
0x1f: {  	s24 =	simm.s32 $0x1B8B  }
0x20: {  	_ =	swait.ge [sflag:s24], $0x1  }
0x21: {  	[sflag:s24] =	ssyncset.done $0x0  }
0x22: {  	s26 =	simm.s32 $0x1B8E;
	s25 =	sld [smem:$0x3FFE];
	[sflag:s24] =	ssyncadd.s32 $0xFFFFFFFF  }
0x23: {  	s27 =	simm.s32 $execute0_lowered;
	[smem:$0x3FD2] =	sst s26  }
0x24: {  	s5 =	sshll.u32 s27, $0x1;
	_ =	strace $0x80000049;
	[dreg:$0x1] =	wrdreg $0xFFFFFFFF  }
0x25: {  	s28 =	simm.s32 $_size_execute0_lowered;
	s3 =	sadd.s32 s3, s5;
	[dreg:$0x0] =	wrdreg $0x0  }
0x26: {  	s5 =	sshll.u32 s28, $0x1;
	[dreg:$0x2] =	wrdreg s3  }
0x27: {  	[dreg:$0x3] =	wrdreg s5  }
0x28: {  	[dreg:$0x4] =	wrdreg $0xC0  }
0x29: {  	_ =	task [dreg:s7], $0x5FFFF  }
0x2a: {  	[dreg:$0x1] =	wrdreg $0xFFFFFFFF  }
0x2b: {  	[dreg:$0x0] =	wrdreg $0x60  }
0x2c: {  	[dreg:$0x2] =	wrdreg s25  }
0x2d: {  	[dreg:$0x3] =	wrdreg s17  }
0x2e: {  	[dreg:$0x4] =	wrdreg $0x9  }
0x2f: {  	_ =	task.clear_ibuf [dreg:s7], $0x5FFFF;
	_ =	strace $0x90000049  }
0x30: {  	s29 =	simm.s32 $0x9;
	_ =	strace $0x8000004B  }
0x31: {  	_ =	swait.ge [sflag:s29], $0x1  }
0x32: {  	[sflag:s29] =	ssyncadd.s32 $0xFFFFFFFF  }
0x33: {  	_ =	strace $0x9000004B  }
0x34: {  	_ =	sfence  }
0x35: {  	s30 =	sld [smem:$0x0];
	_ =	sdelay $0x2  }
0x36: {  	s31 =	sshll.u32 s1, $0xD;
	s1 =	sshrl.u32 s1, $0x2  }
0x37: {  	s3 =	sand.u32 $0x4000, s31;
	s1 =	sadd.s32 s1, s30  }
0x38: {  	s0 =	sor.u32 s3, s0;
	s1 =	sshll.u32 s1, $0x11  }
0x39: {  	s0 =	sor.u32 s1, s0  }
0x3a: {  	s0 =	sadd.s32 $0x8F2B, s0  }
0x3b: {  	[sflag:s0] =	ssyncadd.remote.s32 $0x1  }
0x3c: {  	_ =	sfence.sel $0xFFFF  }
0x3d: {  	[dreg:$0x0] =	wrdreg $0xFFFFFFFF;
	(pc) =	sbr.abs _section_cstart, $3  }
0x3e: {  	[dreg:$0x1] =	wrdreg $0xFFFFFFFF  }
0x3f: {  	_ =	task.clear_ibuf [dreg:s7], $0x2FFFF;
	_ =	strace $0x9FFFFFFF  }
0x40: {  	(tm) =	ssettm $0x7FFFFFFF  }
0x41: {  	_ =	shalt  }
tec
execute0_lowered:
.L_overlay_start_1:
0x0: {  	(tag) =	ssettag $0x1  }
0x1: {  	s0 =	srdreg.scid  }
0x2: {  	s1 =	sshll.u32 s0, $0x4  }
0x3: {  	s0 =	stileid.u32;
	s1 =	sand.u32 $0x10, s1  }
0x4: {  	s1 =	sor.u32 s0, s1  }
0x5: {  	s6 =	rddreg [dreg:$0x0];
	s4 =	simm.s32 $0x1;
	s2 =	sshll.u32 s1, $0x7  }
0x6: {  	s7 =	simm.s32 $0x2;
	s12 =	simm.s32 $0x0;
	s1 =	ssub.s32 $0x4000, s2  }
0x7: {  	s8 =	simm.s32 $0x20000;
	s13 =	simm.s32 $0x0;
	s3 =	sand.u32 $0xF80, s1  }
0x8: {  	s9 =	simm.s32 $0x0;
	s5 =	sshrl.u32 s1, $0xC;
	p0 =	sne.s32 s3, $0x0  }
.Ltmp0:
0x9: {  	s1 =	rddreg [dreg:$0x2];
	s4 =	simm.s32 @!p0 $0x0;
	(pc) =	sbr.rel .LBB1_1-.Ltmp0, $4  }
0xa: {  	s11 =	simm.s32 $0x0;
	s3 =	rddreg [dreg:$0x1];
	s5 =	sadd.s32 s4, s5  }
0xb: {  	_ =	strace $0x8000004A;
	s4 =	simm.s32 $0x1;
	s5 =	smul.u32 $0x32, s5  }
0xc: {  	s6 =	sadd.s32 $0x26AC00, s6;
	s10 =	smov.u32 s2;
	[sflag:s4] =	ssyncpa.u1 $0x0  }
0xd: {  	p0 =	por $0x0, $0x0;
	[sflag:s7] =	ssyncpa.u1 $0x0;
	s7 =	sor.u32 $0x1, s5  }
.LBB1_4:
0xe: {  	s16 =	sshll.u32 s13, $0x3;
	s17 =	sand.u32 $0x78, s13  }
0xf: {  	s30 =	sand.u32 $0x1F800, s13;
	s12 =	sshll.u32 s12, $0x11;
	s16 =	sand.u32 $0x3C00, s16  }
0x10: {  	[tilespmem:s15+$0x810 ss:$0x81] =	vst.msk $0xffff, v2;
	s31 =	sand.u32 $0x7, s13;
	s16 =	sor.u32 s17, s16;
	s17 =	sadd.s32 s3, s30  }
0x11: {  	[tilespmem:s15+$0x1020 ss:$0x81] =	vst.msk $0xffff, v0;
	s13 =	sshll.u32 s31, $0x12;
	s12 =	sadd.s32 s12, s17;
	s16 =	sshrl.u32 s16, $0x3  }
0x12: {  	[tilespmem:s15+$0x0 ss:$0x81] =	vst.msk $0xffff, v1;
	s13 =	sor.u32 $0x400, s13;
	s12 =	sadd.s32 s16, s12  }
0x13: {  	[hbm4b:s12+s13] =	stream.strided.scatter [tilespmem:s14], [sflag:$0x2], $0x2000, s8, s13, $0x20;
	[tilespmem:$0x8080] =	vst v63  }
.LBB1_5:
0x14: {  	s14 =	sadd.s32 $0x1, s9  }
0x15: {  	s12 =	sadd.s32 $0x1000, s10;
	s16 =	smov.u32 s10;
	p2 =	sgt.s32 s14, $0x31  }
0x16: {  	s16 =	smov.u32 @p2 s12  }
0x17: {  	s14 =	simm.s32 @p2 $0x0;
	p2 =	sgt.s32 s16, $0x3FFF  }
0x18: {  	s16 =	smov.u32 @p2 s2;
	p2 =	sne.s32 s11, s7  }
.Ltmp1:
0x19: {  	p1 =	slt.u32 s11, $0x2;
	(pc) =	sbr.rel @!p2 .LBB1_6-.Ltmp1, $4  }
0x1a: {  	s15 =	simm.s32 @!p1 $0x2  }
0x1b: {  	s13 =	smov.u32 s10;
	p0 =	por !p0, !p0;
	_ =	swait.ge @!p1 [sflag:s15], $0x2000  }
0x1c: {  	s12 =	smov.u32 s9;
	[sflag:s15] =	ssyncset.done @!p1 $0x0;
	s9 =	smov.u32 s14  }
0x1d: {  	s11 =	sadd.s32 $0x1, s11;
	[sflag:s15] =	ssyncadd.s32 @!p1 $0xFFFFE000;
	s10 =	smov.u32 s16  }
.LBB1_1:
0x1e: {  	p1 =	sge.u32 s11, s5  }
0x1f: {  	s14 =	sand.u32 @!p1 $0x1FFFFFF, s9  }
0x20: {  	s15 =	smulhi.u32 @!p1 $0x4924925, s14;
	_ =	sdelay $0x1  }
0x21: {  	s15 =	smul.u32 @!p1 $0x38, s15  }
0x22: {  	s16 =	sxor.u32 @!p1 $0xFFFFFFFF, s11;
	s17 =	smul.u32 @!p1 $0x380, s10  }
0x23: {  	s31 =	sadd.s32 $0xFFFFFFFF, s11;
	s16 =	sshll.u32 @!p1 s16, $0xD;
	s14 =	ssub.s32 @!p1 s14, s15  }
0x24: {  	s15 =	sand.u32 @!p1 $0x2000, s16;
	s16 =	sadd.s32 @!p1 s6, s17;
	s14 =	sshll.u32 @!p1 s14, $0x4  }
0x25: {  	s17 =	simm.s32 @!p1 $0x1C00;
	s14 =	sadd.s32 @!p1 s14, s16;
	s16 =	simm.s32 @!p1 $0x40  }
0x26: {  	[tilespmem:s15], [sflag:$0x1] =	stream.strided.gather @!p1 [hbm4b:s14+s16], $0x2000, s17, s16, $0x38;
	[tilespmem:$0x8080] =	vst v63  }
0x27: {  	p1 =	sge.u32 s31, s5  }
.Ltmp2:
0x28: {  	_ = 	snop;
	(pc) =	sbr.rel @p1 .LBB1_5-.Ltmp2, $1  }
0x29: {  	_ =	sdelay $0x3  }
0x2a: {  	s14 =	simm.s32 $0x1  }
0x2b: {  	_ =	swait.ge [sflag:s4], $0x2000;
	s14 =	simm.s32 @!p0 $0x0  }
0x2c: {  	[sflag:s4] =	ssyncset.done $0x0;
	s15 =	sshll.u32 s14, $0xD  }
0x2d: {  	[sflag:s4] =	ssyncadd.s32 $0xFFFFE000;
	s18 =	sor.u32 $0x20, s15  }
0x2e: {  	s14 =	smul.u32 $0x8100, s14;
	v3 =	vld [tilespmem:s18+$0x10]  }
0x2f: {  	s30 =	sand.u32 $0x1, s11;
	v2 =	vld [tilespmem:s18+$0xFFFFFFF0]  }
0x30: {  	s15 =	smul.u32 $0x8100, s30;
	s14 =	sshrl.u32 s14, $0x2;
	v0 =	vld [tilespmem:s18+$0x0]  }
0x31: {  	v1 =	vld [tilespmem:s18+$0xFFFFFFE0];
	s16 =	sor.u32 $0x4000, s14  }
0x32: {  	s31 =	sshrl.u32 s15, $0x2;
	s15 =	sadd.s32 $0x0, s16  }
0x33: {  	s17 =	simm.s32 $0x4;
	s18 =	sadd.s32 $0x40, s18;
	s14 =	sor.u32 $0x4000, s31;
	[tilespmem:s15+$0x1830 ss:$0x81] =	vst.msk $0xffff, v3  }
.LBB1_3:
0x34: {  	v3 =	vld [tilespmem:s18+$0x10];
	p1 =	sne.s32 s17, $0x1FC;
	[tilespmem:s15+$0x810 ss:$0x81] =	vst.msk $0xffff, v2;
	s19 =	smov.u32 s17;
	s17 =	sadd.s32 $0x4, s17  }
.Ltmp3:
0x35: {  	v2 =	vld [tilespmem:s18+$0xFFFFFFF0];
	[tilespmem:s15+$0x1020 ss:$0x81] =	vst.msk $0xffff, v0;
	(pc) =	sbr.rel @p1 .LBB1_3-.Ltmp3, $4  }
0x36: {  	v0 =	vld [tilespmem:s18+$0x0];
	[tilespmem:s15+$0x0 ss:$0x81] =	vst.msk $0xffff, v1  }
0x37: {  	s15 =	sshra.s32 s19, $0x2;
	v1 =	vld [tilespmem:s18+$0xFFFFFFE0]  }
0x38: {  	s15 =	sadd.s32 s15, s16  }
0x39: {  	s18 =	sadd.s32 $0x40, s18;
	[tilespmem:s15+$0x1830 ss:$0x81] =	vst.msk $0xffff, v3  }
.Ltmp4:
0x3a: {  	_ = 	snop;
	(pc) =	sbr.rel .LBB1_4-.Ltmp4, $1  }
0x3b: {  	_ =	sdelay $0x3  }
.LBB1_6:
0x3c: {  	_ =	sfence.sel $0x180000  }
0x3d: {  	s2 =	simm.s32 $0x1;
	[bflag:$0x0] =	sbarrier.arrive $0xFFFF  }
0x3e: {  	s31 =	simm.s32 $0x2;
	[sflag:s2] =	ssyncpa.u1 $0x1  }
0x3f: {  	[sflag:s31] =	ssyncpa.u1 $0x1  }
0x40: {  	p0 =	sne.s32 s0, $0x0;
	_ =	strace $0x9000004A  }
0x41: {  	s0 =	sadd.s32 @!p0 $0x100000, s1;
	[bflag:$0x2] =	sbarrier.arrive $0xFFFF  }
0x42: {  	[sflag:s0] =	ssyncadd.tile.s32 @!p0 $0x1;
	_ =	shalt  }
.Lfunc_end1:
_tile_overlayer_lowered:
.L_overlay_start_2:
0x43: {  	(tag) =	ssettag $0x2  }
0x44: {  	s0 =	rddreg [dreg:$0x0];
	s2 =	stileid.u32  }
0x45: {  	s1 =	rddreg [dreg:$0x1];
	p0 =	sne.s32 s2, $0x0  }
0x46: {  	s3 =	rddreg [dreg:$0x2];
	[bflag:$0x3] =	sbarrier.arrive $0xFFFF;
	s2 =	simm.s32 @!p0 $0x1C01  }
0x47: {  	[timem:s3], [sflag:s2] =	dma.local @!p0 [hbm:s0], s1  }
0x48: {  	s0 =	simm.s32 @!p0 $0x1  }
0x49: {  	_ =	swait.ge @!p0 [sflag:s0], s1  }
0x4a: {  	s1 =	ssub.s32 @!p0 $0x0, s1;
	[sflag:s0] =	ssyncset.done @!p0 $0x0  }
0x4b: {  	[sflag:s0] =	ssyncadd.s32 @!p0 s1  }
0x4c: {  	[bflag:$0x3] =	sbarrier.arrive $0xFFFF  }
0x4d: {  	_ =	shalt  }

</sc_bundles>
